<compile_context>
chip_gen: v7x
topology: tpu7x:2x2x1
jax: 0.10.2.dev20260603
libtpu: 0.0.44.dev20260713+nightly
codegen_flags: <defaults>
</compile_context>

<pallas_src>
import jax
import jax.numpy as jnp
from jax import lax
from jax.experimental import pallas as pl
from jax.experimental.pallas import tpu as pltpu
from jax.experimental.pallas import tpu_sc as plsc

N = 1048576
D = 32
M_COORD = 4194304
PAD = 32768

NC = 2
NS = 16
NW = NC * NS

NB = 64
BSPAN = M_COORD // NB
CAP = 768
CHUNK = N // NW
_SCB = 1

_SC_PARAMS = pltpu.CompilerParams(
    use_tc_tiling_on_sc=False, needs_layout_passes=False)
_MESH = dict(mesh=plsc.VectorSubcoreMesh(core_axis_name="c", subcore_axis_name="s"))

_EXT_BLK = 262144
_NE = N * D
_PADE = PAD * D


def _ext_body(x_ref, o_ref):
    i = pl.program_id(0)
    o_ref[...] = jnp.where(i < _NE // _EXT_BLK, x_ref[...], 0.0)


def _build_data_ext(data):
    x = data.reshape(_NE)
    nblk = (_NE + _PADE) // _EXT_BLK
    out = pl.pallas_call(
        _ext_body,
        grid=(nblk,),
        in_specs=[pl.BlockSpec((_EXT_BLK,),
                               lambda i: (jnp.minimum(i, _NE // _EXT_BLK - 1),))],
        out_specs=pl.BlockSpec((_EXT_BLK,), lambda i: (i,)),
        out_shape=jax.ShapeDtypeStruct((_NE + _PADE,), jnp.float32),
    )(x)
    return out.reshape(N + PAD, D)


_K1A_H = 16384


def _k1a_body(gi_ref, pc_ref, pi_ref, cnt_ref, idx_v, stage_c, stage_i, off_tbl):
    wid = lax.axis_index("s") * NC + lax.axis_index("c")

    @pl.loop(0, NB // 16)
    def _(z):
        off_tbl[pl.ds(16 * z, 16)] = jnp.zeros((16,), jnp.int32)

    zero16 = jnp.zeros((16,), jnp.int32)

    @pl.loop(0, CHUNK // _K1A_H)
    def _(h):
        pltpu.sync_copy(gi_ref.at[pl.ds(wid, 1), pl.ds(h * _K1A_H, _K1A_H)], idx_v)
        base_i = wid * CHUNK + h * _K1A_H + 1

        @pl.loop(0, _K1A_H // 16)
        def _(k):
            c = idx_v[0, pl.ds(16 * k, 16)]
            iv = base_i + 16 * k + lax.iota(jnp.int32, 16)
            b = lax.shift_right_logical(c, 16)
            rank, last_m = plsc.scan_count(b)
            off = plsc.load_gather(off_tbl, [b])
            pos = off + rank - _SCB
            okm = pos < CAP
            plsc.store_scatter(stage_c, [b, zero16, pos], c, mask=okm)
            plsc.store_scatter(stage_i, [b, zero16, pos], iv, mask=okm)
            plsc.store_scatter(off_tbl, [b], jnp.minimum(pos + 1, CAP), mask=last_m)

    pltpu.sync_copy(stage_c, pc_ref.at[:, pl.ds(wid, 1), :])
    pltpu.sync_copy(stage_i, pi_ref.at[:, pl.ds(wid, 1), :])
    pltpu.sync_copy(off_tbl, cnt_ref.at[pl.ds(wid * NB, NB)])


def _k1a(gi2d):
    kern = pl.kernel(
        _k1a_body,
        out_type=(
            jax.ShapeDtypeStruct((NB, NW, CAP), jnp.int32),
            jax.ShapeDtypeStruct((NB, NW, CAP), jnp.int32),
            jax.ShapeDtypeStruct((NW * NB,), jnp.int32),
        ),
        compiler_params=_SC_PARAMS,
        scratch_types=[
            pltpu.VMEM((1, _K1A_H), jnp.int32),
            pltpu.VMEM((NB, 1, CAP), jnp.int32),
            pltpu.VMEM((NB, 1, CAP), jnp.int32),
            pltpu.VMEM((NB,), jnp.int32),
        ],
        **_MESH,
    )
    return kern(gi2d)


def _k1b_body(pc_ref, pi_ref, cnt_ref, table_ref, pcv, piv, cnts_v, tbl_v):
    wid = lax.axis_index("s") * NC + lax.axis_index("c")
    pltpu.sync_copy(cnt_ref, cnts_v)

    @pl.loop(0, NB // NW)
    def _(bk):
        b = wid * (NB // NW) + bk

        @pl.loop(0, BSPAN // 16)
        def _(z):
            tbl_v[pl.ds(16 * z, 16)] = jnp.zeros((16,), jnp.int32)

        pltpu.sync_copy(pc_ref.at[pl.ds(b, 1), :, :], pcv)
        pltpu.sync_copy(pi_ref.at[pl.ds(b, 1), :, :], piv)

        @pl.loop(0, NW)
        def _(s):
            cnt_idx = jnp.broadcast_to(s * NB + b, (16,)).astype(jnp.int32)
            cnt = plsc.load_gather(cnts_v, [cnt_idx])
            kmax = (jnp.max(cnt) + 15) >> 4

            @pl.loop(0, kmax)
            def _(k):
                lane = 16 * k + lax.iota(jnp.int32, 16)
                m = lane < cnt
                c = pcv[0, s, pl.ds(16 * k, 16)]
                iv = piv[0, s, pl.ds(16 * k, 16)]
                lc = c & (BSPAN - 1)
                _, lastc = plsc.scan_count(lc, mask=m)
                plsc.store_scatter(tbl_v, [lc], iv, mask=m & lastc)

        pltpu.sync_copy(tbl_v, table_ref.at[pl.ds(b * BSPAN, BSPAN)])


def _k1b(pc, pi, cnts):
    kern = pl.kernel(
        _k1b_body,
        out_type=jax.ShapeDtypeStruct((M_COORD,), jnp.int32),
        compiler_params=_SC_PARAMS,
        scratch_types=[
            pltpu.VMEM((1, NW, CAP), jnp.int32),
            pltpu.VMEM((1, NW, CAP), jnp.int32),
            pltpu.VMEM((NW * NB,), jnp.int32),
            pltpu.VMEM((BSPAN,), jnp.int32),
        ],
        **_MESH,
    )
    return kern(pc, pi, cnts)


K2_CHUNK = 1024
K2_STEPS = N // (NW * K2_CHUNK)


def _k2_body(oi_ref, table_ref, dext_ref, out_ref,
             oidx_v, pv_v, gidx_v, dense_v, gsem, wsem):
    wid = lax.axis_index("s") * NC + lax.axis_index("c")
    wbase = wid * K2_STEPS * K2_CHUNK

    def chunk(g, u, first, write_prev):
        b = g + u
        jbase = wbase + b * K2_CHUNK
        pltpu.sync_copy(oi_ref.at[pl.ds(jbase, K2_CHUNK)], oidx_v.at[u])
        pltpu.sync_copy(table_ref.at[oidx_v.at[u]], pv_v.at[u])

        @pl.loop(0, K2_CHUNK // 16)
        def _(k):
            pv = pv_v[u, pl.ds(16 * k, 16)]
            j16 = jbase + 16 * k + lax.iota(jnp.int32, 16)
            gidx_v[u, pl.ds(16 * k, 16)] = jnp.where(
                pv > 0, pv - 1, N + (j16 & (PAD - 1)))

        if not first:
            pltpu.make_async_copy(
                dense_v.at[u],
                out_ref.at[pl.ds(wbase, K2_CHUNK), :], wsem.at[u]).wait()
        pltpu.async_copy(dext_ref.at[gidx_v.at[u]], dense_v.at[u], gsem.at[u])
        if write_prev:
            pltpu.make_async_copy(
                dext_ref.at[gidx_v.at[1 - u]], dense_v.at[1 - u],
                gsem.at[1 - u]).wait()
            pltpu.async_copy(
                dense_v.at[1 - u],
                out_ref.at[pl.ds(jbase - K2_CHUNK, K2_CHUNK), :],
                wsem.at[1 - u])

    chunk(0, 0, True, False)
    chunk(0, 1, True, True)

    @pl.loop(2, K2_STEPS, step=2)
    def _(g):
        chunk(g, 0, False, True)
        chunk(g, 1, False, True)

    last = K2_STEPS - 1
    pltpu.make_async_copy(
        dext_ref.at[gidx_v.at[1]], dense_v.at[1], gsem.at[1]).wait()
    pltpu.sync_copy(dense_v.at[1],
                    out_ref.at[pl.ds(wbase + last * K2_CHUNK, K2_CHUNK), :])
    pltpu.make_async_copy(
        dense_v.at[0],
        out_ref.at[pl.ds(wbase, K2_CHUNK), :], wsem.at[0]).wait()


def _k2(oi32, table, data_ext):
    kern = pl.kernel(
        _k2_body,
        out_type=jax.ShapeDtypeStruct((N, D), jnp.float32),
        compiler_params=_SC_PARAMS,
        scratch_types=[
            pltpu.VMEM((2, K2_CHUNK), jnp.int32),
            pltpu.VMEM((2, K2_CHUNK), jnp.int32),
            pltpu.VMEM((2, K2_CHUNK), jnp.int32),
            pltpu.VMEM((2, K2_CHUNK, D), jnp.float32),
            pltpu.SemaphoreType.DMA((2,)),
            pltpu.SemaphoreType.DMA((2,)),
        ],
        **_MESH,
    )
    return kern(oi32, table, data_ext)


@jax.jit
def kernel(data, grid_idx, other_grid_idx):
    gi2d = grid_idx.astype(jnp.int32).reshape(NW, CHUNK)
    oi32 = other_grid_idx.astype(jnp.int32)
    data_ext = _build_data_ext(data)
    pc, pi, cnts = _k1a(gi2d)
    table = _k1b(pc, pi, cnts)
    return _k2(oi32, table, data_ext)

# --- scband reference (transcript-rebuilt; emitter-appended) ---
"""Pipeline reference for scband-fill-from-grid-single-22359599743101 (READ-ONLY COPY).

The authoritative reference and input builder live on the scoring server;
editing this copy changes nothing except your own understanding.
"""

import jax, jax.numpy as jnp
import numpy as np

M_COORD = 4194304  # linearized voxel coordinate space size
DEFAULT_VALUE = 0.0


def setup_inputs(seed: int = 0) -> dict:
    key = jax.random.key(seed)
    k1, k2, k3 = jax.random.split(key, 3)
    data = jax.random.normal(k1, (1048576, 32), dtype=jnp.float32)
    grid_idx = jax.random.randint(k2, (1048576,), 0, M_COORD, dtype=jnp.int64)
    other_grid_idx = jax.random.randint(k3, (1048576,), 0, M_COORD, dtype=jnp.int64)
    return {"data": data, "grid_idx": grid_idx, "other_grid_idx": other_grid_idx}


def reference(data, grid_idx, other_grid_idx):
    # Models FillFromGridSingle.forward: other_grid.inject_from(grid, data, default_value)
    # Grids are modeled by their active-voxel linearized ijk coordinates.
    # For each voxel of other_grid: copy the feature from grid if the voxel
    # coordinate exists in grid, otherwise fill with default_value.
    d = data.shape[1]
    # scatter (overwrite) source-grid features into a dense coordinate buffer
    buf = jnp.full((M_COORD, d), DEFAULT_VALUE, dtype=data.dtype)
    buf = buf.at[grid_idx].set(data)
    occ = jnp.zeros((M_COORD,), dtype=bool).at[grid_idx].set(True)
    # gather at destination-grid voxel coordinates
    gathered = buf[other_grid_idx]
    valid = occ[other_grid_idx]
    out = jnp.where(valid[:, None], gathered, jnp.asarray(DEFAULT_VALUE, dtype=data.dtype))
    return out

if __name__ == "__main__":
    import jax
    _d = setup_inputs()
    print(jax.jit(kernel)(*tuple(_d.values())))

</pallas_src>

<mosaic_0001>
#map = affine_map<(d0, d1) -> (0, 0)>
#map1 = affine_map<(d0, d1) -> (0, 0, 0)>
#map2 = affine_map<(d0, d1) -> (0)>
module attributes {stable_mosaic.version = 14 : i64} {
  func.func @_k1a_body(%arg0: i32, %arg1: i32, %arg2: memref<32x32768xi32, #tpu.memory_space<hbm>>, %arg3: memref<64x32x768xi32, #tpu.memory_space<hbm>>, %arg4: memref<64x32x768xi32, #tpu.memory_space<hbm>>, %arg5: memref<2048xi32, #tpu.memory_space<hbm>>, %arg6: memref<1x16384xi32, #tpu.memory_space<vmem>>, %arg7: memref<64x1x768xi32, #tpu.memory_space<vmem>>, %arg8: memref<64x1x768xi32, #tpu.memory_space<vmem>>, %arg9: memref<64xi32, #tpu.memory_space<vmem>>) attributes {dimension_semantics = [#tpu.dimension_semantics<core_parallel>, #tpu.dimension_semantics<subcore_parallel>], iteration_bounds = array<i64: 2, 16>, scalar_prefetch = 0 : i64, scratch_operands = 4 : i64, tpu.core_type = #tpu.core_type<sc_vector_subcore>, window_params = [{transform_indices = #map}, {transform_indices = #map1}, {transform_indices = #map1}, {transform_indices = #map2}]} {
    %mul3A = arith.constant 2 : i32
    %mul3A_0 = arith.muli %arg1, %mul3A : i32
    %add3A = arith.addi %mul3A_0, %arg0 : i32
    %scan3A = arith.constant 0 : i32
    %scan3A_1 = arith.constant 4 : i32
    %scan3A_2 = arith.addi %scan3A, %scan3A_1 : i32
    %scan3A_3 = arith.constant 1 : i32
    scf.for %scan3A_13 = %scan3A to %scan3A_2 step %scan3A_3  : i32 {
      %mul3A_14 = arith.constant 1 : i32
      %mul3A_15 = arith.muli %scan3A_13, %mul3A_14 : i32
      %add3A_16 = arith.constant 0 : i32
      %add3A_17 = arith.addi %add3A_16, %mul3A_15 : i32
      %broadcast_in_dim3A_18 = arith.constant 0 : i32
      %broadcast_in_dim3A_19 = vector.broadcast %broadcast_in_dim3A_18 : i32 to vector<16xi32>
      %mul3A_20 = arith.constant 16 : i32
      %mul3A_21 = arith.muli %mul3A_20, %add3A_17 : i32
      %swap3A = arith.index_cast %mul3A_21 : i32 to index
      %swap3A_22 = tpu.vector_load %arg9[%swap3A] {strides = array<i32>} : memref<64xi32, #tpu.memory_space<vmem>>, vector<16xi32>,
      tpu.vector_store %arg9[%swap3A], %broadcast_in_dim3A_19 {strides = array<i32>} : memref<64xi32, #tpu.memory_space<vmem>>, vector<16xi32>,
    }
    %scan3A_4 = arith.constant 4 : i32
    %broadcast_in_dim3A = arith.constant 0 : i32
    %broadcast_in_dim3A_5 = vector.broadcast %broadcast_in_dim3A : i32 to vector<16xi32>
    %scan3A_6 = arith.constant 0 : i32
    %scan3A_7 = arith.constant 2 : i32
    %scan3A_8 = arith.addi %scan3A_6, %scan3A_7 : i32
    %scan3A_9 = arith.constant 1 : i32
    scf.for %scan3A_13 = %scan3A_6 to %scan3A_8 step %scan3A_9  : i32 {
      %mul3A_14 = arith.constant 1 : i32
      %mul3A_15 = arith.muli %scan3A_13, %mul3A_14 : i32
      %add3A_16 = arith.constant 0 : i32
      %add3A_17 = arith.addi %add3A_16, %mul3A_15 : i32
      %mul3A_18 = arith.constant 16384 : i32
      %mul3A_19 = arith.muli %add3A_17, %mul3A_18 : i32
      "tpu.region"() ({
        %run_scoped3A = tpu.sem_alloc : memref<!tpu.dma_semaphore, #tpu.memory_space<semaphore_mem>>
        %dma_start3A = tpu.memref_slice %arg2[%add3A, %mul3A_19] : memref<32x32768xi32, #tpu.memory_space<hbm>> -> memref<1x16384xi32, #tpu.memory_space<hbm>>
        %dma_start3A_32 = tpu.memref_slice %arg2[%add3A, %mul3A_19] : memref<32x32768xi32, #tpu.memory_space<hbm>> -> memref<1x16384xi32, #tpu.memory_space<hbm>>
        tpu.enqueue_dma source(%dma_start3A_32 : memref<1x16384xi32, #tpu.memory_space<hbm>>) target(%arg6 : memref<1x16384xi32, #tpu.memory_space<vmem>>) target_semaphore(%run_scoped3A : memref<!tpu.dma_semaphore, #tpu.memory_space<semaphore_mem>>)
        %dma_wait3A = tpu.memref_slice %arg2[%add3A, %mul3A_19] : memref<32x32768xi32, #tpu.memory_space<hbm>> -> memref<1x16384xi32, #tpu.memory_space<hbm>>
        %dma_wait3A_33 = tpu.memref_slice %arg2[%add3A, %mul3A_19] : memref<32x32768xi32, #tpu.memory_space<hbm>> -> memref<1x16384xi32, #tpu.memory_space<hbm>>
        tpu.wait_dma2 semaphore(%run_scoped3A : memref<!tpu.dma_semaphore, #tpu.memory_space<semaphore_mem>>) src(%dma_wait3A_33 : memref<1x16384xi32, #tpu.memory_space<hbm>>) dst(%arg6 : memref<1x16384xi32, #tpu.memory_space<vmem>>)
        tpu.yield
      }) : () -> ()
      %mul3A_20 = arith.constant 32768 : i32
      %mul3A_21 = arith.muli %add3A, %mul3A_20 : i32
      %mul3A_22 = arith.constant 16384 : i32
      %mul3A_23 = arith.muli %add3A_17, %mul3A_22 : i32
      %add3A_24 = arith.addi %mul3A_21, %mul3A_23 : i32
      %add3A_25 = arith.constant 1 : i32
      %add3A_26 = arith.addi %add3A_24, %add3A_25 : i32
      %scan3A_27 = arith.constant 0 : i32
      %scan3A_28 = arith.constant 1024 : i32
      %scan3A_29 = arith.addi %scan3A_27, %scan3A_28 : i32
      %scan3A_30 = arith.constant 1 : i32
      scf.for %scan3A_32 = %scan3A_27 to %scan3A_29 step %scan3A_30  : i32 {
        %mul3A_33 = arith.constant 1 : i32
        %mul3A_34 = arith.muli %scan3A_32, %mul3A_33 : i32
        %add3A_35 = arith.constant 0 : i32
        %add3A_36 = arith.addi %add3A_35, %mul3A_34 : i32
        %mul3A_37 = arith.constant 16 : i32
        %mul3A_38 = arith.muli %mul3A_37, %add3A_36 : i32
        %get3A = arith.constant 0 : i32
        %get3A_39 = arith.index_cast %get3A : i32 to index
        %get3A_40 = arith.index_cast %mul3A_38 : i32 to index
        %get3A_41 = tpu.vector_load %arg6[%get3A_39, %get3A_40] {strides = array<i32>} : memref<1x16384xi32, #tpu.memory_space<vmem>>, vector<16xi32>,
        %mul3A_42 = arith.constant 16 : i32
        %mul3A_43 = arith.muli %mul3A_42, %add3A_36 : i32
        %add3A_44 = arith.addi %add3A_26, %mul3A_43 : i32
        %iota3A = tpu.iota {dimensions = array<i32: 0>} : vector<16xi32>
        %add3A_45 = vector.broadcast %add3A_44 : i32 to vector<16xi32>
        %add3A_46 = arith.addi %add3A_45, %iota3A : vector<16xi32>
        %shift_right_logical3A = arith.constant 16 : i32
        %shift_right_logical3A_47 = vector.broadcast %shift_right_logical3A : i32 to vector<16xi32>
        %shift_right_logical3A_48 = arith.shrui %get3A_41, %shift_right_logical3A_47 : vector<16xi32>
        %broadcast_in_dim3A_49 = arith.constant true
        %broadcast_in_dim3A_50 = vector.broadcast %broadcast_in_dim3A_49 : i1 to vector<16xi1>
        %unique3A, %unique3A_51 = tpu.scan_count mask(%broadcast_in_dim3A_50 : vector<16xi1>) value(%shift_right_logical3A_48 : vector<16xi32>) : vector<16xi1>, vector<16xi32>
        %gather3A = tpu.vector_load_idx %arg9[%shift_right_logical3A_48] : memref<64xi32, #tpu.memory_space<vmem>>[vector<16xi32>], vector<16xi32>,
        %add3A_52 = arith.addi %gather3A, %unique3A_51 : vector<16xi32>
        %sub3A = arith.constant 1 : i32
        %sub3A_53 = vector.broadcast %sub3A : i32 to vector<16xi32>
        %sub3A_54 = arith.subi %add3A_52, %sub3A_53 : vector<16xi32>
        %lt3A = arith.constant 768 : i32
        %lt3A_55 = vector.broadcast %lt3A : i32 to vector<16xi32>
        %lt3A_56 = arith.cmpi slt, %sub3A_54, %lt3A_55 : vector<16xi32>
        tpu.vector_store_idx %arg7[%shift_right_logical3A_48, %broadcast_in_dim3A_5, %sub3A_54], %get3A_41 masked %lt3A_56 : memref<64x1x768xi32, #tpu.memory_space<vmem>>[vector<16xi32>, vector<16xi32>, vector<16xi32>], vector<16xi32>, vector<16xi1>
        tpu.vector_store_idx %arg8[%shift_right_logical3A_48, %broadcast_in_dim3A_5, %sub3A_54], %add3A_46 masked %lt3A_56 : memref<64x1x768xi32, #tpu.memory_space<vmem>>[vector<16xi32>, vector<16xi32>, vector<16xi32>], vector<16xi32>, vector<16xi1>
        %add3A_57 = arith.constant 1 : i32
        %add3A_58 = vector.broadcast %add3A_57 : i32 to vector<16xi32>
        %add3A_59 = arith.addi %sub3A_54, %add3A_58 : vector<16xi32>
        %min3A = arith.constant 768 : i32
        %min3A_60 = vector.broadcast %min3A : i32 to vector<16xi32>
        %min3A_61 = arith.minsi %add3A_59, %min3A_60 : vector<16xi32>
        tpu.vector_store_idx %arg9[%shift_right_logical3A_48], %min3A_61 masked %unique3A : memref<64xi32, #tpu.memory_space<vmem>>[vector<16xi32>], vector<16xi32>, vector<16xi1>
      }
      %scan3A_31 = arith.constant 1024 : i32
    }
    %scan3A_10 = arith.constant 2 : i32
    "tpu.region"() ({
      %run_scoped3A = tpu.sem_alloc : memref<!tpu.dma_semaphore, #tpu.memory_space<semaphore_mem>>
      %dma_start3A = arith.constant 0 : i32
      %dma_start3A_13 = arith.constant 0 : i32
      %dma_start3A_14 = tpu.memref_slice %arg3[%dma_start3A, %add3A, %dma_start3A_13] : memref<64x32x768xi32, #tpu.memory_space<hbm>> -> memref<64x1x768xi32, #tpu.memory_space<hbm>>
      %dma_start3A_15 = arith.constant 0 : i32
      %dma_start3A_16 = arith.constant 0 : i32
      %dma_start3A_17 = tpu.memref_slice %arg3[%dma_start3A_15, %add3A, %dma_start3A_16] : memref<64x32x768xi32, #tpu.memory_space<hbm>> -> memref<64x1x768xi32, #tpu.memory_space<hbm>>
      tpu.enqueue_dma source(%arg7 : memref<64x1x768xi32, #tpu.memory_space<vmem>>) target(%dma_start3A_17 : memref<64x1x768xi32, #tpu.memory_space<hbm>>) target_semaphore(%run_scoped3A : memref<!tpu.dma_semaphore, #tpu.memory_space<semaphore_mem>>)
      %dma_wait3A = arith.constant 0 : i32
      %dma_wait3A_18 = arith.constant 0 : i32
      %dma_wait3A_19 = tpu.memref_slice %arg3[%dma_wait3A, %add3A, %dma_wait3A_18] : memref<64x32x768xi32, #tpu.memory_space<hbm>> -> memref<64x1x768xi32, #tpu.memory_space<hbm>>
      %dma_wait3A_20 = arith.constant 0 : i32
      %dma_wait3A_21 = arith.constant 0 : i32
      %dma_wait3A_22 = tpu.memref_slice %arg3[%dma_wait3A_20, %add3A, %dma_wait3A_21] : memref<64x32x768xi32, #tpu.memory_space<hbm>> -> memref<64x1x768xi32, #tpu.memory_space<hbm>>
      tpu.wait_dma2 semaphore(%run_scoped3A : memref<!tpu.dma_semaphore, #tpu.memory_space<semaphore_mem>>) src(%arg7 : memref<64x1x768xi32, #tpu.memory_space<vmem>>) dst(%dma_wait3A_22 : memref<64x1x768xi32, #tpu.memory_space<hbm>>)
      tpu.yield
    }) : () -> ()
    "tpu.region"() ({
      %run_scoped3A = tpu.sem_alloc : memref<!tpu.dma_semaphore, #tpu.memory_space<semaphore_mem>>
      %dma_start3A = arith.constant 0 : i32
      %dma_start3A_13 = arith.constant 0 : i32
      %dma_start3A_14 = tpu.memref_slice %arg4[%dma_start3A, %add3A, %dma_start3A_13] : memref<64x32x768xi32, #tpu.memory_space<hbm>> -> memref<64x1x768xi32, #tpu.memory_space<hbm>>
      %dma_start3A_15 = arith.constant 0 : i32
      %dma_start3A_16 = arith.constant 0 : i32
      %dma_start3A_17 = tpu.memref_slice %arg4[%dma_start3A_15, %add3A, %dma_start3A_16] : memref<64x32x768xi32, #tpu.memory_space<hbm>> -> memref<64x1x768xi32, #tpu.memory_space<hbm>>
      tpu.enqueue_dma source(%arg8 : memref<64x1x768xi32, #tpu.memory_space<vmem>>) target(%dma_start3A_17 : memref<64x1x768xi32, #tpu.memory_space<hbm>>) target_semaphore(%run_scoped3A : memref<!tpu.dma_semaphore, #tpu.memory_space<semaphore_mem>>)
      %dma_wait3A = arith.constant 0 : i32
      %dma_wait3A_18 = arith.constant 0 : i32
      %dma_wait3A_19 = tpu.memref_slice %arg4[%dma_wait3A, %add3A, %dma_wait3A_18] : memref<64x32x768xi32, #tpu.memory_space<hbm>> -> memref<64x1x768xi32, #tpu.memory_space<hbm>>
      %dma_wait3A_20 = arith.constant 0 : i32
      %dma_wait3A_21 = arith.constant 0 : i32
      %dma_wait3A_22 = tpu.memref_slice %arg4[%dma_wait3A_20, %add3A, %dma_wait3A_21] : memref<64x32x768xi32, #tpu.memory_space<hbm>> -> memref<64x1x768xi32, #tpu.memory_space<hbm>>
      tpu.wait_dma2 semaphore(%run_scoped3A : memref<!tpu.dma_semaphore, #tpu.memory_space<semaphore_mem>>) src(%arg8 : memref<64x1x768xi32, #tpu.memory_space<vmem>>) dst(%dma_wait3A_22 : memref<64x1x768xi32, #tpu.memory_space<hbm>>)
      tpu.yield
    }) : () -> ()
    %mul3A_11 = arith.constant 64 : i32
    %mul3A_12 = arith.muli %add3A, %mul3A_11 : i32
    "tpu.region"() ({
      %run_scoped3A = tpu.sem_alloc : memref<!tpu.dma_semaphore, #tpu.memory_space<semaphore_mem>>
      %dma_start3A = tpu.memref_slice %arg5[%mul3A_12] : memref<2048xi32, #tpu.memory_space<hbm>> -> memref<64xi32, #tpu.memory_space<hbm>>
      %dma_start3A_13 = tpu.memref_slice %arg5[%mul3A_12] : memref<2048xi32, #tpu.memory_space<hbm>> -> memref<64xi32, #tpu.memory_space<hbm>>
      tpu.enqueue_dma source(%arg9 : memref<64xi32, #tpu.memory_space<vmem>>) target(%dma_start3A_13 : memref<64xi32, #tpu.memory_space<hbm>>) target_semaphore(%run_scoped3A : memref<!tpu.dma_semaphore, #tpu.memory_space<semaphore_mem>>)
      %dma_wait3A = tpu.memref_slice %arg5[%mul3A_12] : memref<2048xi32, #tpu.memory_space<hbm>> -> memref<64xi32, #tpu.memory_space<hbm>>
      %dma_wait3A_14 = tpu.memref_slice %arg5[%mul3A_12] : memref<2048xi32, #tpu.memory_space<hbm>> -> memref<64xi32, #tpu.memory_space<hbm>>
      tpu.wait_dma2 semaphore(%run_scoped3A : memref<!tpu.dma_semaphore, #tpu.memory_space<semaphore_mem>>) src(%arg9 : memref<64xi32, #tpu.memory_space<vmem>>) dst(%dma_wait3A_14 : memref<64xi32, #tpu.memory_space<hbm>>)
      tpu.yield
    }) : () -> ()
    return
  }
}

#map = affine_map<(d0, d1) -> (0, 0, 0)>
#map1 = affine_map<(d0, d1) -> (0)>
module attributes {stable_mosaic.version = 14 : i64} {
  func.func @_k1b_body(%arg0: i32, %arg1: i32, %arg2: memref<64x32x768xi32, #tpu.memory_space<hbm>>, %arg3: memref<64x32x768xi32, #tpu.memory_space<hbm>>, %arg4: memref<2048xi32, #tpu.memory_space<hbm>>, %arg5: memref<4194304xi32, #tpu.memory_space<hbm>>, %arg6: memref<1x32x768xi32, #tpu.memory_space<vmem>>, %arg7: memref<1x32x768xi32, #tpu.memory_space<vmem>>, %arg8: memref<2048xi32, #tpu.memory_space<vmem>>, %arg9: memref<65536xi32, #tpu.memory_space<vmem>>) attributes {dimension_semantics = [#tpu.dimension_semantics<core_parallel>, #tpu.dimension_semantics<subcore_parallel>], iteration_bounds = array<i64: 2, 16>, scalar_prefetch = 0 : i64, scratch_operands = 4 : i64, tpu.core_type = #tpu.core_type<sc_vector_subcore>, window_params = [{transform_indices = #map}, {transform_indices = #map}, {transform_indices = #map1}, {transform_indices = #map1}]} {
    %mul3A = arith.constant 2 : i32
    %mul3A_0 = arith.muli %arg1, %mul3A : i32
    %add3A = arith.addi %mul3A_0, %arg0 : i32
    "tpu.region"() ({
      %run_scoped3A = tpu.sem_alloc : memref<!tpu.dma_semaphore, #tpu.memory_space<semaphore_mem>>
      tpu.enqueue_dma source(%arg4 : memref<2048xi32, #tpu.memory_space<hbm>>) target(%arg8 : memref<2048xi32, #tpu.memory_space<vmem>>) target_semaphore(%run_scoped3A : memref<!tpu.dma_semaphore, #tpu.memory_space<semaphore_mem>>)
      tpu.wait_dma2 semaphore(%run_scoped3A : memref<!tpu.dma_semaphore, #tpu.memory_space<semaphore_mem>>) src(%arg4 : memref<2048xi32, #tpu.memory_space<hbm>>) dst(%arg8 : memref<2048xi32, #tpu.memory_space<vmem>>)
      tpu.yield
    }) : () -> ()
    %scan3A = arith.constant 0 : i32
    %scan3A_1 = arith.constant 2 : i32
    %scan3A_2 = arith.addi %scan3A, %scan3A_1 : i32
    %scan3A_3 = arith.constant 1 : i32
    scf.for %scan3A_5 = %scan3A to %scan3A_2 step %scan3A_3  : i32 {
      %mul3A_6 = arith.constant 1 : i32
      %mul3A_7 = arith.muli %scan3A_5, %mul3A_6 : i32
      %add3A_8 = arith.constant 0 : i32
      %add3A_9 = arith.addi %add3A_8, %mul3A_7 : i32
      %mul3A_10 = arith.constant 2 : i32
      %mul3A_11 = arith.muli %add3A, %mul3A_10 : i32
      %add3A_12 = arith.addi %mul3A_11, %add3A_9 : i32
      %scan3A_13 = arith.constant 0 : i32
      %scan3A_14 = arith.constant 4096 : i32
      %scan3A_15 = arith.addi %scan3A_13, %scan3A_14 : i32
      %scan3A_16 = arith.constant 1 : i32
      scf.for %scan3A_25 = %scan3A_13 to %scan3A_15 step %scan3A_16  : i32 {
        %mul3A_26 = arith.constant 1 : i32
        %mul3A_27 = arith.muli %scan3A_25, %mul3A_26 : i32
        %add3A_28 = arith.constant 0 : i32
        %add3A_29 = arith.addi %add3A_28, %mul3A_27 : i32
        %broadcast_in_dim3A = arith.constant 0 : i32
        %broadcast_in_dim3A_30 = vector.broadcast %broadcast_in_dim3A : i32 to vector<16xi32>
        %mul3A_31 = arith.constant 16 : i32
        %mul3A_32 = arith.muli %mul3A_31, %add3A_29 : i32
        %swap3A = arith.index_cast %mul3A_32 : i32 to index
        %swap3A_33 = tpu.vector_load %arg9[%swap3A] {strides = array<i32>} : memref<65536xi32, #tpu.memory_space<vmem>>, vector<16xi32>,
        tpu.vector_store %arg9[%swap3A], %broadcast_in_dim3A_30 {strides = array<i32>} : memref<65536xi32, #tpu.memory_space<vmem>>, vector<16xi32>,
      }
      %scan3A_17 = arith.constant 4096 : i32
      "tpu.region"() ({
        %run_scoped3A = tpu.sem_alloc : memref<!tpu.dma_semaphore, #tpu.memory_space<semaphore_mem>>
        %dma_start3A = arith.constant 0 : i32
        %dma_start3A_25 = arith.constant 0 : i32
        %dma_start3A_26 = tpu.memref_slice %arg2[%add3A_12, %dma_start3A, %dma_start3A_25] : memref<64x32x768xi32, #tpu.memory_space<hbm>> -> memref<1x32x768xi32, #tpu.memory_space<hbm>>
        %dma_start3A_27 = arith.constant 0 : i32
        %dma_start3A_28 = arith.constant 0 : i32
        %dma_start3A_29 = tpu.memref_slice %arg2[%add3A_12, %dma_start3A_27, %dma_start3A_28] : memref<64x32x768xi32, #tpu.memory_space<hbm>> -> memref<1x32x768xi32, #tpu.memory_space<hbm>>
        tpu.enqueue_dma source(%dma_start3A_29 : memref<1x32x768xi32, #tpu.memory_space<hbm>>) target(%arg6 : memref<1x32x768xi32, #tpu.memory_space<vmem>>) target_semaphore(%run_scoped3A : memref<!tpu.dma_semaphore, #tpu.memory_space<semaphore_mem>>)
        %dma_wait3A = arith.constant 0 : i32
        %dma_wait3A_30 = arith.constant 0 : i32
        %dma_wait3A_31 = tpu.memref_slice %arg2[%add3A_12, %dma_wait3A, %dma_wait3A_30] : memref<64x32x768xi32, #tpu.memory_space<hbm>> -> memref<1x32x768xi32, #tpu.memory_space<hbm>>
        %dma_wait3A_32 = arith.constant 0 : i32
        %dma_wait3A_33 = arith.constant 0 : i32
        %dma_wait3A_34 = tpu.memref_slice %arg2[%add3A_12, %dma_wait3A_32, %dma_wait3A_33] : memref<64x32x768xi32, #tpu.memory_space<hbm>> -> memref<1x32x768xi32, #tpu.memory_space<hbm>>
        tpu.wait_dma2 semaphore(%run_scoped3A : memref<!tpu.dma_semaphore, #tpu.memory_space<semaphore_mem>>) src(%dma_wait3A_34 : memref<1x32x768xi32, #tpu.memory_space<hbm>>) dst(%arg6 : memref<1x32x768xi32, #tpu.memory_space<vmem>>)
        tpu.yield
      }) : () -> ()
      "tpu.region"() ({
        %run_scoped3A = tpu.sem_alloc : memref<!tpu.dma_semaphore, #tpu.memory_space<semaphore_mem>>
        %dma_start3A = arith.constant 0 : i32
        %dma_start3A_25 = arith.constant 0 : i32
        %dma_start3A_26 = tpu.memref_slice %arg3[%add3A_12, %dma_start3A, %dma_start3A_25] : memref<64x32x768xi32, #tpu.memory_space<hbm>> -> memref<1x32x768xi32, #tpu.memory_space<hbm>>
        %dma_start3A_27 = arith.constant 0 : i32
        %dma_start3A_28 = arith.constant 0 : i32
        %dma_start3A_29 = tpu.memref_slice %arg3[%add3A_12, %dma_start3A_27, %dma_start3A_28] : memref<64x32x768xi32, #tpu.memory_space<hbm>> -> memref<1x32x768xi32, #tpu.memory_space<hbm>>
        tpu.enqueue_dma source(%dma_start3A_29 : memref<1x32x768xi32, #tpu.memory_space<hbm>>) target(%arg7 : memref<1x32x768xi32, #tpu.memory_space<vmem>>) target_semaphore(%run_scoped3A : memref<!tpu.dma_semaphore, #tpu.memory_space<semaphore_mem>>)
        %dma_wait3A = arith.constant 0 : i32
        %dma_wait3A_30 = arith.constant 0 : i32
        %dma_wait3A_31 = tpu.memref_slice %arg3[%add3A_12, %dma_wait3A, %dma_wait3A_30] : memref<64x32x768xi32, #tpu.memory_space<hbm>> -> memref<1x32x768xi32, #tpu.memory_space<hbm>>
        %dma_wait3A_32 = arith.constant 0 : i32
        %dma_wait3A_33 = arith.constant 0 : i32
        %dma_wait3A_34 = tpu.memref_slice %arg3[%add3A_12, %dma_wait3A_32, %dma_wait3A_33] : memref<64x32x768xi32, #tpu.memory_space<hbm>> -> memref<1x32x768xi32, #tpu.memory_space<hbm>>
        tpu.wait_dma2 semaphore(%run_scoped3A : memref<!tpu.dma_semaphore, #tpu.memory_space<semaphore_mem>>) src(%dma_wait3A_34 : memref<1x32x768xi32, #tpu.memory_space<hbm>>) dst(%arg7 : memref<1x32x768xi32, #tpu.memory_space<vmem>>)
        tpu.yield
      }) : () -> ()
      %scan3A_18 = arith.constant 0 : i32
      %scan3A_19 = arith.constant 32 : i32
      %scan3A_20 = arith.addi %scan3A_18, %scan3A_19 : i32
      %scan3A_21 = arith.constant 1 : i32
      scf.for %scan3A_25 = %scan3A_18 to %scan3A_20 step %scan3A_21  : i32 {
        %mul3A_26 = arith.constant 1 : i32
        %mul3A_27 = arith.muli %scan3A_25, %mul3A_26 : i32
        %add3A_28 = arith.constant 0 : i32
        %add3A_29 = arith.addi %add3A_28, %mul3A_27 : i32
        %mul3A_30 = arith.constant 64 : i32
        %mul3A_31 = arith.muli %add3A_29, %mul3A_30 : i32
        %add3A_32 = arith.addi %mul3A_31, %add3A_12 : i32
        %broadcast_in_dim3A = vector.broadcast %add3A_32 : i32 to vector<16xi32>
        %gather3A = tpu.vector_load_idx %arg8[%broadcast_in_dim3A] : memref<2048xi32, #tpu.memory_space<vmem>>[vector<16xi32>], vector<16xi32>,
        %reduce_max3A = arith.constant true
        %reduce_max3A_33 = vector.broadcast %reduce_max3A : i1 to vector<16xi1>
        %reduce_max3A_34 = arith.constant -2147483648 : i32
        %reduce_max3A_35 = vector.broadcast %reduce_max3A_34 : i32 to vector<16xi32>
        %reduce_max3A_36 = arith.xori %gather3A, %reduce_max3A_35 : vector<16xi32>
        %reduce_max3A_37 = tpu.scan <max>, %reduce_max3A_36 masked %reduce_max3A_33 : vector<16xi32>, vector<16xi1> -> vector<16xi32>
        %reduce_max3A_38 = arith.xori %reduce_max3A_37, %reduce_max3A_35 : vector<16xi32>
        %reduce_max3A_39 = vector.extract %reduce_max3A_38[15] : i32 from vector<16xi32>
        %add3A_40 = arith.constant 15 : i32
        %add3A_41 = arith.addi %reduce_max3A_39, %add3A_40 : i32
        %shift_right_arithmetic3A = arith.constant 4 : i32
        %shift_right_arithmetic3A_42 = arith.shrsi %add3A_41, %shift_right_arithmetic3A : i32
        %sub3A = arith.constant 0 : i32
        %sub3A_43 = arith.subi %shift_right_arithmetic3A_42, %sub3A : i32
        %sub3A_44 = arith.constant 1 : i32
        %sub3A_45 = arith.constant 1 : i32
        %sub3A_46 = arith.subi %sub3A_44, %sub3A_45 : i32
        %add3A_47 = arith.addi %sub3A_43, %sub3A_46 : i32
        %div3A = arith.constant 1 : i32
        %div3A_48 = arith.divsi %add3A_47, %div3A : i32
        %while3A = arith.constant 1 : i32
        %while3A_49 = arith.constant 0 : i32
        %while3A_50 = arith.constant 0 : i32
        %while3A_51 = arith.subi %div3A_48, %while3A_50 : i32
        %while3A_52 = arith.addi %while3A_50, %while3A_51 : i32
        %while3A_53 = arith.constant 1 : i32
        %while3A_54 = arith.divsi %while3A_51, %while3A_53 : i32
        %while3A_55 = arith.muli %while3A_54, %while3A_53 : i32
        %while3A_56 = arith.addi %while3A_50, %while3A_55 : i32
        %while3A_57 = arith.constant 1 : i32
        scf.for %while3A_59 = %while3A_50 to %while3A_56 step %while3A_57  : i32 {
          %mul3A_60 = arith.muli %while3A_59, %while3A : i32
          %add3A_61 = arith.addi %while3A_49, %mul3A_60 : i32
          %mul3A_62 = arith.constant 16 : i32
          %mul3A_63 = arith.muli %mul3A_62, %add3A_61 : i32
          %iota3A = tpu.iota {dimensions = array<i32: 0>} : vector<16xi32>
          %add3A_64 = vector.broadcast %mul3A_63 : i32 to vector<16xi32>
          %add3A_65 = arith.addi %add3A_64, %iota3A : vector<16xi32>
          %lt3A = arith.cmpi slt, %add3A_65, %gather3A : vector<16xi32>
          %mul3A_66 = arith.constant 16 : i32
          %mul3A_67 = arith.muli %mul3A_66, %add3A_61 : i32
          %get3A = arith.constant 0 : i32
          %get3A_68 = arith.index_cast %get3A : i32 to index
          %get3A_69 = arith.index_cast %add3A_29 : i32 to index
          %get3A_70 = arith.index_cast %mul3A_67 : i32 to index
          %get3A_71 = tpu.vector_load %arg6[%get3A_68, %get3A_69, %get3A_70] {strides = array<i32>} : memref<1x32x768xi32, #tpu.memory_space<vmem>>, vector<16xi32>,
          %mul3A_72 = arith.constant 16 : i32
          %mul3A_73 = arith.muli %mul3A_72, %add3A_61 : i32
          %get3A_74 = arith.constant 0 : i32
          %get3A_75 = arith.index_cast %get3A_74 : i32 to index
          %get3A_76 = arith.index_cast %add3A_29 : i32 to index
          %get3A_77 = arith.index_cast %mul3A_73 : i32 to index
          %get3A_78 = tpu.vector_load %arg7[%get3A_75, %get3A_76, %get3A_77] {strides = array<i32>} : memref<1x32x768xi32, #tpu.memory_space<vmem>>, vector<16xi32>,
          %and3A = arith.constant 65535 : i32
          %and3A_79 = vector.broadcast %and3A : i32 to vector<16xi32>
          %and3A_80 = arith.andi %get3A_71, %and3A_79 : vector<16xi32>
          %unique3A, %unique3A_81 = tpu.scan_count mask(%lt3A : vector<16xi1>) value(%and3A_80 : vector<16xi32>) : vector<16xi1>, vector<16xi32>
          %and3A_82 = arith.andi %lt3A, %unique3A : vector<16xi1>
          tpu.vector_store_idx %arg9[%and3A_80], %get3A_78 masked %and3A_82 : memref<65536xi32, #tpu.memory_space<vmem>>[vector<16xi32>], vector<16xi32>, vector<16xi1>
        }
        %while3A_58 = arith.constant 1 : i32
        scf.for %while3A_59 = %while3A_56 to %while3A_52 step %while3A_58  : i32 {
          %mul3A_60 = arith.muli %while3A_59, %while3A : i32
          %add3A_61 = arith.addi %while3A_49, %mul3A_60 : i32
          %mul3A_62 = arith.constant 16 : i32
          %mul3A_63 = arith.muli %mul3A_62, %add3A_61 : i32
          %iota3A = tpu.iota {dimensions = array<i32: 0>} : vector<16xi32>
          %add3A_64 = vector.broadcast %mul3A_63 : i32 to vector<16xi32>
          %add3A_65 = arith.addi %add3A_64, %iota3A : vector<16xi32>
          %lt3A = arith.cmpi slt, %add3A_65, %gather3A : vector<16xi32>
          %mul3A_66 = arith.constant 16 : i32
          %mul3A_67 = arith.muli %mul3A_66, %add3A_61 : i32
          %get3A = arith.constant 0 : i32
          %get3A_68 = arith.index_cast %get3A : i32 to index
          %get3A_69 = arith.index_cast %add3A_29 : i32 to index
          %get3A_70 = arith.index_cast %mul3A_67 : i32 to index
          %get3A_71 = tpu.vector_load %arg6[%get3A_68, %get3A_69, %get3A_70] {strides = array<i32>} : memref<1x32x768xi32, #tpu.memory_space<vmem>>, vector<16xi32>,
          %mul3A_72 = arith.constant 16 : i32
          %mul3A_73 = arith.muli %mul3A_72, %add3A_61 : i32
          %get3A_74 = arith.constant 0 : i32
          %get3A_75 = arith.index_cast %get3A_74 : i32 to index
          %get3A_76 = arith.index_cast %add3A_29 : i32 to index
          %get3A_77 = arith.index_cast %mul3A_73 : i32 to index
          %get3A_78 = tpu.vector_load %arg7[%get3A_75, %get3A_76, %get3A_77] {strides = array<i32>} : memref<1x32x768xi32, #tpu.memory_space<vmem>>, vector<16xi32>,
          %and3A = arith.constant 65535 : i32
          %and3A_79 = vector.broadcast %and3A : i32 to vector<16xi32>
          %and3A_80 = arith.andi %get3A_71, %and3A_79 : vector<16xi32>
          %unique3A, %unique3A_81 = tpu.scan_count mask(%lt3A : vector<16xi1>) value(%and3A_80 : vector<16xi32>) : vector<16xi1>, vector<16xi32>
          %and3A_82 = arith.andi %lt3A, %unique3A : vector<16xi1>
          tpu.vector_store_idx %arg9[%and3A_80], %get3A_78 masked %and3A_82 : memref<65536xi32, #tpu.memory_space<vmem>>[vector<16xi32>], vector<16xi32>, vector<16xi1>
        }
      }
      %scan3A_22 = arith.constant 32 : i32
      %mul3A_23 = arith.constant 65536 : i32
      %mul3A_24 = arith.muli %add3A_12, %mul3A_23 : i32
      "tpu.region"() ({
        %run_scoped3A = tpu.sem_alloc : memref<!tpu.dma_semaphore, #tpu.memory_space<semaphore_mem>>
        %dma_start3A = tpu.memref_slice %arg5[%mul3A_24] : memref<4194304xi32, #tpu.memory_space<hbm>> -> memref<65536xi32, #tpu.memory_space<hbm>>
        %dma_start3A_25 = tpu.memref_slice %arg5[%mul3A_24] : memref<4194304xi32, #tpu.memory_space<hbm>> -> memref<65536xi32, #tpu.memory_space<hbm>>
        tpu.enqueue_dma source(%arg9 : memref<65536xi32, #tpu.memory_space<vmem>>) target(%dma_start3A_25 : memref<65536xi32, #tpu.memory_space<hbm>>) target_semaphore(%run_scoped3A : memref<!tpu.dma_semaphore, #tpu.memory_space<semaphore_mem>>)
        %dma_wait3A = tpu.memref_slice %arg5[%mul3A_24] : memref<4194304xi32, #tpu.memory_space<hbm>> -> memref<65536xi32, #tpu.memory_space<hbm>>
        %dma_wait3A_26 = tpu.memref_slice %arg5[%mul3A_24] : memref<4194304xi32, #tpu.memory_space<hbm>> -> memref<65536xi32, #tpu.memory_space<hbm>>
        tpu.wait_dma2 semaphore(%run_scoped3A : memref<!tpu.dma_semaphore, #tpu.memory_space<semaphore_mem>>) src(%arg9 : memref<65536xi32, #tpu.memory_space<vmem>>) dst(%dma_wait3A_26 : memref<65536xi32, #tpu.memory_space<hbm>>)
        tpu.yield
      }) : () -> ()
    }
    %scan3A_4 = arith.constant 2 : i32
    return
  }
}

#map = affine_map<(d0, d1) -> (0)>
#map1 = affine_map<(d0, d1) -> (0, 0)>
module attributes {stable_mosaic.version = 14 : i64} {
  func.func @_k2_body(%arg0: i32, %arg1: i32, %arg2: memref<1048576xi32, #tpu.memory_space<hbm>>, %arg3: memref<4194304xi32, #tpu.memory_space<hbm>>, %arg4: memref<1081344x32xf32, #tpu.memory_space<hbm>>, %arg5: memref<1048576x32xf32, #tpu.memory_space<hbm>>, %arg6: memref<2x1024xi32, #tpu.memory_space<vmem>>, %arg7: memref<2x1024xi32, #tpu.memory_space<vmem>>, %arg8: memref<2x1024xi32, #tpu.memory_space<vmem>>, %arg9: memref<2x1024x32xf32, #tpu.memory_space<vmem>>, %arg10: memref<2x!tpu.dma_semaphore, #tpu.memory_space<semaphore_mem>>, %arg11: memref<2x!tpu.dma_semaphore, #tpu.memory_space<semaphore_mem>>) attributes {dimension_semantics = [#tpu.dimension_semantics<core_parallel>, #tpu.dimension_semantics<subcore_parallel>], iteration_bounds = array<i64: 2, 16>, scalar_prefetch = 0 : i64, scratch_operands = 6 : i64, tpu.core_type = #tpu.core_type<sc_vector_subcore>, window_params = [{transform_indices = #map}, {transform_indices = #map}, {transform_indices = #map1}, {transform_indices = #map1}]} {
    %mul3A = arith.constant 2 : i32
    %mul3A_0 = arith.muli %arg1, %mul3A : i32
    %add3A = arith.addi %mul3A_0, %arg0 : i32
    %mul3A_1 = arith.constant 32 : i32
    %mul3A_2 = arith.muli %add3A, %mul3A_1 : i32
    %mul3A_3 = arith.constant 1024 : i32
    %mul3A_4 = arith.muli %mul3A_2, %mul3A_3 : i32
    %add3A_5 = arith.constant 0 : i32
    %add3A_6 = arith.addi %mul3A_4, %add3A_5 : i32
    %run_scoped3A = arith.constant 0 : i32
    "tpu.region"() ({
      %run_scoped3A_122 = tpu.sem_alloc : memref<!tpu.dma_semaphore, #tpu.memory_space<semaphore_mem>>
      %dma_start3A_123 = arith.constant 0 : i32
      %dma_start3A_124 = tpu.memref_slice %arg6[%run_scoped3A, %dma_start3A_123] : memref<2x1024xi32, #tpu.memory_space<vmem>> -> memref<1x1024xi32, #tpu.memory_space<vmem>>
      %dma_start3A_125 = tpu.memref_squeeze %dma_start3A_124 : memref<1x1024xi32, #tpu.memory_space<vmem>> -> memref<1024xi32, #tpu.memory_space<vmem>>
      %dma_start3A_126 = tpu.memref_slice %arg2[%add3A_6] : memref<1048576xi32, #tpu.memory_space<hbm>> -> memref<1024xi32, #tpu.memory_space<hbm>>
      %dma_start3A_127 = arith.constant 0 : i32
      %dma_start3A_128 = tpu.memref_slice %arg6[%run_scoped3A, %dma_start3A_127] : memref<2x1024xi32, #tpu.memory_space<vmem>> -> memref<1x1024xi32, #tpu.memory_space<vmem>>
      %dma_start3A_129 = tpu.memref_squeeze %dma_start3A_128 : memref<1x1024xi32, #tpu.memory_space<vmem>> -> memref<1024xi32, #tpu.memory_space<vmem>>
      %dma_start3A_130 = tpu.memref_slice %arg2[%add3A_6] : memref<1048576xi32, #tpu.memory_space<hbm>> -> memref<1024xi32, #tpu.memory_space<hbm>>
      tpu.enqueue_dma source(%dma_start3A_130 : memref<1024xi32, #tpu.memory_space<hbm>>) target(%dma_start3A_129 : memref<1024xi32, #tpu.memory_space<vmem>>) target_semaphore(%run_scoped3A_122 : memref<!tpu.dma_semaphore, #tpu.memory_space<semaphore_mem>>)
      %dma_wait3A_131 = arith.constant 0 : i32
      %dma_wait3A_132 = tpu.memref_slice %arg6[%run_scoped3A, %dma_wait3A_131] : memref<2x1024xi32, #tpu.memory_space<vmem>> -> memref<1x1024xi32, #tpu.memory_space<vmem>>
      %dma_wait3A_133 = tpu.memref_squeeze %dma_wait3A_132 : memref<1x1024xi32, #tpu.memory_space<vmem>> -> memref<1024xi32, #tpu.memory_space<vmem>>
      %dma_wait3A_134 = tpu.memref_slice %arg2[%add3A_6] : memref<1048576xi32, #tpu.memory_space<hbm>> -> memref<1024xi32, #tpu.memory_space<hbm>>
      %dma_wait3A_135 = arith.constant 0 : i32
      %dma_wait3A_136 = tpu.memref_slice %arg6[%run_scoped3A, %dma_wait3A_135] : memref<2x1024xi32, #tpu.memory_space<vmem>> -> memref<1x1024xi32, #tpu.memory_space<vmem>>
      %dma_wait3A_137 = tpu.memref_squeeze %dma_wait3A_136 : memref<1x1024xi32, #tpu.memory_space<vmem>> -> memref<1024xi32, #tpu.memory_space<vmem>>
      %dma_wait3A_138 = tpu.memref_slice %arg2[%add3A_6] : memref<1048576xi32, #tpu.memory_space<hbm>> -> memref<1024xi32, #tpu.memory_space<hbm>>
      tpu.wait_dma2 semaphore(%run_scoped3A_122 : memref<!tpu.dma_semaphore, #tpu.memory_space<semaphore_mem>>) src(%dma_wait3A_138 : memref<1024xi32, #tpu.memory_space<hbm>>) dst(%dma_wait3A_137 : memref<1024xi32, #tpu.memory_space<vmem>>)
      tpu.yield
    }) : () -> ()
    %run_scoped3A_7 = arith.constant 0 : i32
    %run_scoped3A_8 = arith.constant 0 : i32
    "tpu.region"() ({
      %run_scoped3A_122 = tpu.sem_alloc : memref<!tpu.dma_semaphore, #tpu.memory_space<semaphore_mem>>
      %dma_start3A_123 = arith.constant 0 : i32
      %dma_start3A_124 = tpu.memref_slice %arg7[%run_scoped3A_8, %dma_start3A_123] : memref<2x1024xi32, #tpu.memory_space<vmem>> -> memref<1x1024xi32, #tpu.memory_space<vmem>>
      %dma_start3A_125 = tpu.memref_squeeze %dma_start3A_124 : memref<1x1024xi32, #tpu.memory_space<vmem>> -> memref<1024xi32, #tpu.memory_space<vmem>>
      %dma_start3A_126 = arith.constant 0 : i32
      %dma_start3A_127 = tpu.memref_slice %arg6[%run_scoped3A_7, %dma_start3A_126] : memref<2x1024xi32, #tpu.memory_space<vmem>> -> memref<1x1024xi32, #tpu.memory_space<vmem>>
      %dma_start3A_128 = tpu.memref_squeeze %dma_start3A_127 : memref<1x1024xi32, #tpu.memory_space<vmem>> -> memref<1024xi32, #tpu.memory_space<vmem>>
      %dma_start3A_129 = arith.constant 0 : i32
      %dma_start3A_130 = tpu.memref_slice %arg3[%dma_start3A_129] : memref<4194304xi32, #tpu.memory_space<hbm>> -> memref<4194304xi32, #tpu.memory_space<hbm>>
      tpu.enqueue_indirect_dma source(%dma_start3A_130 : memref<4194304xi32, #tpu.memory_space<hbm>>) target(%dma_start3A_125 : memref<1024xi32, #tpu.memory_space<vmem>>) offsets(%dma_start3A_128 : memref<1024xi32, #tpu.memory_space<vmem>>) semaphore(%run_scoped3A_122 : memref<!tpu.dma_semaphore, #tpu.memory_space<semaphore_mem>>)
      %dma_wait3A_131 = arith.constant 0 : i32
      %dma_wait3A_132 = tpu.memref_slice %arg7[%run_scoped3A_8, %dma_wait3A_131] : memref<2x1024xi32, #tpu.memory_space<vmem>> -> memref<1x1024xi32, #tpu.memory_space<vmem>>
      %dma_wait3A_133 = tpu.memref_squeeze %dma_wait3A_132 : memref<1x1024xi32, #tpu.memory_space<vmem>> -> memref<1024xi32, #tpu.memory_space<vmem>>
      %dma_wait3A_134 = arith.constant 0 : i32
      %dma_wait3A_135 = tpu.memref_slice %arg6[%run_scoped3A_7, %dma_wait3A_134] : memref<2x1024xi32, #tpu.memory_space<vmem>> -> memref<1x1024xi32, #tpu.memory_space<vmem>>
      %dma_wait3A_136 = tpu.memref_squeeze %dma_wait3A_135 : memref<1x1024xi32, #tpu.memory_space<vmem>> -> memref<1024xi32, #tpu.memory_space<vmem>>
      %dma_wait3A_137 = arith.constant 0 : i32
      %dma_wait3A_138 = tpu.memref_slice %arg3[%dma_wait3A_137] : memref<4194304xi32, #tpu.memory_space<hbm>> -> memref<4194304xi32, #tpu.memory_space<hbm>>
      tpu.wait_indirect_dma semaphore(%run_scoped3A_122 : memref<!tpu.dma_semaphore, #tpu.memory_space<semaphore_mem>>) src(%dma_wait3A_138 : memref<4194304xi32, #tpu.memory_space<hbm>>) dst(%dma_wait3A_133 : memref<1024xi32, #tpu.memory_space<vmem>>)
      tpu.yield
    }) : () -> ()
    %scan3A = arith.constant 0 : i32
    %scan3A_9 = arith.constant 64 : i32
    %scan3A_10 = arith.addi %scan3A, %scan3A_9 : i32
    %scan3A_11 = arith.constant 1 : i32
    scf.for %scan3A_122 = %scan3A to %scan3A_10 step %scan3A_11  : i32 {
      %mul3A_123 = arith.constant 1 : i32
      %mul3A_124 = arith.muli %scan3A_122, %mul3A_123 : i32
      %add3A_125 = arith.constant 0 : i32
      %add3A_126 = arith.addi %add3A_125, %mul3A_124 : i32
      %mul3A_127 = arith.constant 16 : i32
      %mul3A_128 = arith.muli %mul3A_127, %add3A_126 : i32
      %get3A = arith.constant 0 : i32
      %get3A_129 = arith.index_cast %get3A : i32 to index
      %get3A_130 = arith.index_cast %mul3A_128 : i32 to index
      %get3A_131 = tpu.vector_load %arg7[%get3A_129, %get3A_130] {strides = array<i32>} : memref<2x1024xi32, #tpu.memory_space<vmem>>, vector<16xi32>,
      %mul3A_132 = arith.constant 16 : i32
      %mul3A_133 = arith.muli %mul3A_132, %add3A_126 : i32
      %add3A_134 = arith.addi %add3A_6, %mul3A_133 : i32
      %iota3A = tpu.iota {dimensions = array<i32: 0>} : vector<16xi32>
      %add3A_135 = vector.broadcast %add3A_134 : i32 to vector<16xi32>
      %add3A_136 = arith.addi %add3A_135, %iota3A : vector<16xi32>
      %gt3A = arith.constant 0 : i32
      %gt3A_137 = vector.broadcast %gt3A : i32 to vector<16xi32>
      %gt3A_138 = arith.cmpi sgt, %get3A_131, %gt3A_137 : vector<16xi32>
      %sub3A_139 = arith.constant 1 : i32
      %sub3A_140 = vector.broadcast %sub3A_139 : i32 to vector<16xi32>
      %sub3A_141 = arith.subi %get3A_131, %sub3A_140 : vector<16xi32>
      %and3A = arith.constant 32767 : i32
      %and3A_142 = vector.broadcast %and3A : i32 to vector<16xi32>
      %and3A_143 = arith.andi %add3A_136, %and3A_142 : vector<16xi32>
      %add3A_144 = arith.constant 1048576 : i32
      %add3A_145 = vector.broadcast %add3A_144 : i32 to vector<16xi32>
      %add3A_146 = arith.addi %add3A_145, %and3A_143 : vector<16xi32>
      %select_n3A = arith.select %gt3A_138, %sub3A_141, %add3A_146 : vector<16xi1>, vector<16xi32>
      %mul3A_147 = arith.constant 16 : i32
      %mul3A_148 = arith.muli %mul3A_147, %add3A_126 : i32
      %swap3A = arith.constant 0 : i32
      %swap3A_149 = arith.index_cast %swap3A : i32 to index
      %swap3A_150 = arith.index_cast %mul3A_148 : i32 to index
      %swap3A_151 = tpu.vector_load %arg8[%swap3A_149, %swap3A_150] {strides = array<i32>} : memref<2x1024xi32, #tpu.memory_space<vmem>>, vector<16xi32>,
      tpu.vector_store %arg8[%swap3A_149, %swap3A_150], %select_n3A {strides = array<i32>} : memref<2x1024xi32, #tpu.memory_space<vmem>>, vector<16xi32>,
    }
    %scan3A_12 = arith.constant 64 : i32
    %dma_start3A = arith.constant 0 : i32
    %dma_start3A_13 = arith.constant 0 : i32
    %dma_start3A_14 = arith.constant 0 : i32
    %dma_start3A_15 = arith.constant 0 : i32
    %dma_start3A_16 = arith.constant 0 : i32
    %dma_start3A_17 = tpu.memref_slice %arg9[%dma_start3A_13, %dma_start3A_15, %dma_start3A_16] : memref<2x1024x32xf32, #tpu.memory_space<vmem>> -> memref<1x1024x32xf32, #tpu.memory_space<vmem>>
    %dma_start3A_18 = tpu.memref_squeeze %dma_start3A_17 : memref<1x1024x32xf32, #tpu.memory_space<vmem>> -> memref<1024x32xf32, #tpu.memory_space<vmem>>
    %dma_start3A_19 = arith.constant 0 : i32
    %dma_start3A_20 = tpu.memref_slice %arg8[%dma_start3A, %dma_start3A_19] : memref<2x1024xi32, #tpu.memory_space<vmem>> -> memref<1x1024xi32, #tpu.memory_space<vmem>>
    %dma_start3A_21 = tpu.memref_squeeze %dma_start3A_20 : memref<1x1024xi32, #tpu.memory_space<vmem>> -> memref<1024xi32, #tpu.memory_space<vmem>>
    %dma_start3A_22 = arith.constant 0 : i32
    %dma_start3A_23 = arith.constant 0 : i32
    %dma_start3A_24 = tpu.memref_slice %arg4[%dma_start3A_22, %dma_start3A_23] : memref<1081344x32xf32, #tpu.memory_space<hbm>> -> memref<1081344x32xf32, #tpu.memory_space<hbm>>
    %dma_start3A_25 = tpu.memref_slice %arg10[%dma_start3A_14] : memref<2x!tpu.dma_semaphore, #tpu.memory_space<semaphore_mem>> -> memref<1x!tpu.dma_semaphore, #tpu.memory_space<semaphore_mem>>
    %dma_start3A_26 = tpu.memref_squeeze %dma_start3A_25 : memref<1x!tpu.dma_semaphore, #tpu.memory_space<semaphore_mem>> -> memref<!tpu.dma_semaphore, #tpu.memory_space<semaphore_mem>>
    tpu.enqueue_indirect_dma source(%dma_start3A_24 : memref<1081344x32xf32, #tpu.memory_space<hbm>>) target(%dma_start3A_18 : memref<1024x32xf32, #tpu.memory_space<vmem>>) offsets(%dma_start3A_21 : memref<1024xi32, #tpu.memory_space<vmem>>) semaphore(%dma_start3A_26 : memref<!tpu.dma_semaphore, #tpu.memory_space<semaphore_mem>>)
    %add3A_27 = arith.constant 1024 : i32
    %add3A_28 = arith.addi %mul3A_4, %add3A_27 : i32
    %run_scoped3A_29 = arith.constant 1 : i32
    "tpu.region"() ({
      %run_scoped3A_122 = tpu.sem_alloc : memref<!tpu.dma_semaphore, #tpu.memory_space<semaphore_mem>>
      %dma_start3A_123 = arith.constant 0 : i32
      %dma_start3A_124 = tpu.memref_slice %arg6[%run_scoped3A_29, %dma_start3A_123] : memref<2x1024xi32, #tpu.memory_space<vmem>> -> memref<1x1024xi32, #tpu.memory_space<vmem>>
      %dma_start3A_125 = tpu.memref_squeeze %dma_start3A_124 : memref<1x1024xi32, #tpu.memory_space<vmem>> -> memref<1024xi32, #tpu.memory_space<vmem>>
      %dma_start3A_126 = tpu.memref_slice %arg2[%add3A_28] : memref<1048576xi32, #tpu.memory_space<hbm>> -> memref<1024xi32, #tpu.memory_space<hbm>>
      %dma_start3A_127 = arith.constant 0 : i32
      %dma_start3A_128 = tpu.memref_slice %arg6[%run_scoped3A_29, %dma_start3A_127] : memref<2x1024xi32, #tpu.memory_space<vmem>> -> memref<1x1024xi32, #tpu.memory_space<vmem>>
      %dma_start3A_129 = tpu.memref_squeeze %dma_start3A_128 : memref<1x1024xi32, #tpu.memory_space<vmem>> -> memref<1024xi32, #tpu.memory_space<vmem>>
      %dma_start3A_130 = tpu.memref_slice %arg2[%add3A_28] : memref<1048576xi32, #tpu.memory_space<hbm>> -> memref<1024xi32, #tpu.memory_space<hbm>>
      tpu.enqueue_dma source(%dma_start3A_130 : memref<1024xi32, #tpu.memory_space<hbm>>) target(%dma_start3A_129 : memref<1024xi32, #tpu.memory_space<vmem>>) target_semaphore(%run_scoped3A_122 : memref<!tpu.dma_semaphore, #tpu.memory_space<semaphore_mem>>)
      %dma_wait3A_131 = arith.constant 0 : i32
      %dma_wait3A_132 = tpu.memref_slice %arg6[%run_scoped3A_29, %dma_wait3A_131] : memref<2x1024xi32, #tpu.memory_space<vmem>> -> memref<1x1024xi32, #tpu.memory_space<vmem>>
      %dma_wait3A_133 = tpu.memref_squeeze %dma_wait3A_132 : memref<1x1024xi32, #tpu.memory_space<vmem>> -> memref<1024xi32, #tpu.memory_space<vmem>>
      %dma_wait3A_134 = tpu.memref_slice %arg2[%add3A_28] : memref<1048576xi32, #tpu.memory_space<hbm>> -> memref<1024xi32, #tpu.memory_space<hbm>>
      %dma_wait3A_135 = arith.constant 0 : i32
      %dma_wait3A_136 = tpu.memref_slice %arg6[%run_scoped3A_29, %dma_wait3A_135] : memref<2x1024xi32, #tpu.memory_space<vmem>> -> memref<1x1024xi32, #tpu.memory_space<vmem>>
      %dma_wait3A_137 = tpu.memref_squeeze %dma_wait3A_136 : memref<1x1024xi32, #tpu.memory_space<vmem>> -> memref<1024xi32, #tpu.memory_space<vmem>>
      %dma_wait3A_138 = tpu.memref_slice %arg2[%add3A_28] : memref<1048576xi32, #tpu.memory_space<hbm>> -> memref<1024xi32, #tpu.memory_space<hbm>>
      tpu.wait_dma2 semaphore(%run_scoped3A_122 : memref<!tpu.dma_semaphore, #tpu.memory_space<semaphore_mem>>) src(%dma_wait3A_138 : memref<1024xi32, #tpu.memory_space<hbm>>) dst(%dma_wait3A_137 : memref<1024xi32, #tpu.memory_space<vmem>>)
      tpu.yield
    }) : () -> ()
    %run_scoped3A_30 = arith.constant 1 : i32
    %run_scoped3A_31 = arith.constant 1 : i32
    "tpu.region"() ({
      %run_scoped3A_122 = tpu.sem_alloc : memref<!tpu.dma_semaphore, #tpu.memory_space<semaphore_mem>>
      %dma_start3A_123 = arith.constant 0 : i32
      %dma_start3A_124 = tpu.memref_slice %arg7[%run_scoped3A_31, %dma_start3A_123] : memref<2x1024xi32, #tpu.memory_space<vmem>> -> memref<1x1024xi32, #tpu.memory_space<vmem>>
      %dma_start3A_125 = tpu.memref_squeeze %dma_start3A_124 : memref<1x1024xi32, #tpu.memory_space<vmem>> -> memref<1024xi32, #tpu.memory_space<vmem>>
      %dma_start3A_126 = arith.constant 0 : i32
      %dma_start3A_127 = tpu.memref_slice %arg6[%run_scoped3A_30, %dma_start3A_126] : memref<2x1024xi32, #tpu.memory_space<vmem>> -> memref<1x1024xi32, #tpu.memory_space<vmem>>
      %dma_start3A_128 = tpu.memref_squeeze %dma_start3A_127 : memref<1x1024xi32, #tpu.memory_space<vmem>> -> memref<1024xi32, #tpu.memory_space<vmem>>
      %dma_start3A_129 = arith.constant 0 : i32
      %dma_start3A_130 = tpu.memref_slice %arg3[%dma_start3A_129] : memref<4194304xi32, #tpu.memory_space<hbm>> -> memref<4194304xi32, #tpu.memory_space<hbm>>
      tpu.enqueue_indirect_dma source(%dma_start3A_130 : memref<4194304xi32, #tpu.memory_space<hbm>>) target(%dma_start3A_125 : memref<1024xi32, #tpu.memory_space<vmem>>) offsets(%dma_start3A_128 : memref<1024xi32, #tpu.memory_space<vmem>>) semaphore(%run_scoped3A_122 : memref<!tpu.dma_semaphore, #tpu.memory_space<semaphore_mem>>)
      %dma_wait3A_131 = arith.constant 0 : i32
      %dma_wait3A_132 = tpu.memref_slice %arg7[%run_scoped3A_31, %dma_wait3A_131] : memref<2x1024xi32, #tpu.memory_space<vmem>> -> memref<1x1024xi32, #tpu.memory_space<vmem>>
      %dma_wait3A_133 = tpu.memref_squeeze %dma_wait3A_132 : memref<1x1024xi32, #tpu.memory_space<vmem>> -> memref<1024xi32, #tpu.memory_space<vmem>>
      %dma_wait3A_134 = arith.constant 0 : i32
      %dma_wait3A_135 = tpu.memref_slice %arg6[%run_scoped3A_30, %dma_wait3A_134] : memref<2x1024xi32, #tpu.memory_space<vmem>> -> memref<1x1024xi32, #tpu.memory_space<vmem>>
      %dma_wait3A_136 = tpu.memref_squeeze %dma_wait3A_135 : memref<1x1024xi32, #tpu.memory_space<vmem>> -> memref<1024xi32, #tpu.memory_space<vmem>>
      %dma_wait3A_137 = arith.constant 0 : i32
      %dma_wait3A_138 = tpu.memref_slice %arg3[%dma_wait3A_137] : memref<4194304xi32, #tpu.memory_space<hbm>> -> memref<4194304xi32, #tpu.memory_space<hbm>>
      tpu.wait_indirect_dma semaphore(%run_scoped3A_122 : memref<!tpu.dma_semaphore, #tpu.memory_space<semaphore_mem>>) src(%dma_wait3A_138 : memref<4194304xi32, #tpu.memory_space<hbm>>) dst(%dma_wait3A_133 : memref<1024xi32, #tpu.memory_space<vmem>>)
      tpu.yield
    }) : () -> ()
    %scan3A_32 = arith.constant 0 : i32
    %scan3A_33 = arith.constant 64 : i32
    %scan3A_34 = arith.addi %scan3A_32, %scan3A_33 : i32
    %scan3A_35 = arith.constant 1 : i32
    scf.for %scan3A_122 = %scan3A_32 to %scan3A_34 step %scan3A_35  : i32 {
      %mul3A_123 = arith.constant 1 : i32
      %mul3A_124 = arith.muli %scan3A_122, %mul3A_123 : i32
      %add3A_125 = arith.constant 0 : i32
      %add3A_126 = arith.addi %add3A_125, %mul3A_124 : i32
      %mul3A_127 = arith.constant 16 : i32
      %mul3A_128 = arith.muli %mul3A_127, %add3A_126 : i32
      %get3A = arith.constant 1 : i32
      %get3A_129 = arith.index_cast %get3A : i32 to index
      %get3A_130 = arith.index_cast %mul3A_128 : i32 to index
      %get3A_131 = tpu.vector_load %arg7[%get3A_129, %get3A_130] {strides = array<i32>} : memref<2x1024xi32, #tpu.memory_space<vmem>>, vector<16xi32>,
      %mul3A_132 = arith.constant 16 : i32
      %mul3A_133 = arith.muli %mul3A_132, %add3A_126 : i32
      %add3A_134 = arith.addi %add3A_28, %mul3A_133 : i32
      %iota3A = tpu.iota {dimensions = array<i32: 0>} : vector<16xi32>
      %add3A_135 = vector.broadcast %add3A_134 : i32 to vector<16xi32>
      %add3A_136 = arith.addi %add3A_135, %iota3A : vector<16xi32>
      %gt3A = arith.constant 0 : i32
      %gt3A_137 = vector.broadcast %gt3A : i32 to vector<16xi32>
      %gt3A_138 = arith.cmpi sgt, %get3A_131, %gt3A_137 : vector<16xi32>
      %sub3A_139 = arith.constant 1 : i32
      %sub3A_140 = vector.broadcast %sub3A_139 : i32 to vector<16xi32>
      %sub3A_141 = arith.subi %get3A_131, %sub3A_140 : vector<16xi32>
      %and3A = arith.constant 32767 : i32
      %and3A_142 = vector.broadcast %and3A : i32 to vector<16xi32>
      %and3A_143 = arith.andi %add3A_136, %and3A_142 : vector<16xi32>
      %add3A_144 = arith.constant 1048576 : i32
      %add3A_145 = vector.broadcast %add3A_144 : i32 to vector<16xi32>
      %add3A_146 = arith.addi %add3A_145, %and3A_143 : vector<16xi32>
      %select_n3A = arith.select %gt3A_138, %sub3A_141, %add3A_146 : vector<16xi1>, vector<16xi32>
      %mul3A_147 = arith.constant 16 : i32
      %mul3A_148 = arith.muli %mul3A_147, %add3A_126 : i32
      %swap3A = arith.constant 1 : i32
      %swap3A_149 = arith.index_cast %swap3A : i32 to index
      %swap3A_150 = arith.index_cast %mul3A_148 : i32 to index
      %swap3A_151 = tpu.vector_load %arg8[%swap3A_149, %swap3A_150] {strides = array<i32>} : memref<2x1024xi32, #tpu.memory_space<vmem>>, vector<16xi32>,
      tpu.vector_store %arg8[%swap3A_149, %swap3A_150], %select_n3A {strides = array<i32>} : memref<2x1024xi32, #tpu.memory_space<vmem>>, vector<16xi32>,
    }
    %scan3A_36 = arith.constant 64 : i32
    %dma_start3A_37 = arith.constant 1 : i32
    %dma_start3A_38 = arith.constant 1 : i32
    %dma_start3A_39 = arith.constant 1 : i32
    %dma_start3A_40 = arith.constant 0 : i32
    %dma_start3A_41 = arith.constant 0 : i32
    %dma_start3A_42 = tpu.memref_slice %arg9[%dma_start3A_38, %dma_start3A_40, %dma_start3A_41] : memref<2x1024x32xf32, #tpu.memory_space<vmem>> -> memref<1x1024x32xf32, #tpu.memory_space<vmem>>
    %dma_start3A_43 = tpu.memref_squeeze %dma_start3A_42 : memref<1x1024x32xf32, #tpu.memory_space<vmem>> -> memref<1024x32xf32, #tpu.memory_space<vmem>>
    %dma_start3A_44 = arith.constant 0 : i32
    %dma_start3A_45 = tpu.memref_slice %arg8[%dma_start3A_37, %dma_start3A_44] : memref<2x1024xi32, #tpu.memory_space<vmem>> -> memref<1x1024xi32, #tpu.memory_space<vmem>>
    %dma_start3A_46 = tpu.memref_squeeze %dma_start3A_45 : memref<1x1024xi32, #tpu.memory_space<vmem>> -> memref<1024xi32, #tpu.memory_space<vmem>>
    %dma_start3A_47 = arith.constant 0 : i32
    %dma_start3A_48 = arith.constant 0 : i32
    %dma_start3A_49 = tpu.memref_slice %arg4[%dma_start3A_47, %dma_start3A_48] : memref<1081344x32xf32, #tpu.memory_space<hbm>> -> memref<1081344x32xf32, #tpu.memory_space<hbm>>
    %dma_start3A_50 = tpu.memref_slice %arg10[%dma_start3A_39] : memref<2x!tpu.dma_semaphore, #tpu.memory_space<semaphore_mem>> -> memref<1x!tpu.dma_semaphore, #tpu.memory_space<semaphore_mem>>
    %dma_start3A_51 = tpu.memref_squeeze %dma_start3A_50 : memref<1x!tpu.dma_semaphore, #tpu.memory_space<semaphore_mem>> -> memref<!tpu.dma_semaphore, #tpu.memory_space<semaphore_mem>>
    tpu.enqueue_indirect_dma source(%dma_start3A_49 : memref<1081344x32xf32, #tpu.memory_space<hbm>>) target(%dma_start3A_43 : memref<1024x32xf32, #tpu.memory_space<vmem>>) offsets(%dma_start3A_46 : memref<1024xi32, #tpu.memory_space<vmem>>) semaphore(%dma_start3A_51 : memref<!tpu.dma_semaphore, #tpu.memory_space<semaphore_mem>>)
    %dma_wait3A = arith.constant 0 : i32
    %dma_wait3A_52 = arith.constant 0 : i32
    %dma_wait3A_53 = arith.constant 0 : i32
    %dma_wait3A_54 = arith.constant 0 : i32
    %dma_wait3A_55 = arith.constant 0 : i32
    %dma_wait3A_56 = tpu.memref_slice %arg9[%dma_wait3A_52, %dma_wait3A_54, %dma_wait3A_55] : memref<2x1024x32xf32, #tpu.memory_space<vmem>> -> memref<1x1024x32xf32, #tpu.memory_space<vmem>>
    %dma_wait3A_57 = tpu.memref_squeeze %dma_wait3A_56 : memref<1x1024x32xf32, #tpu.memory_space<vmem>> -> memref<1024x32xf32, #tpu.memory_space<vmem>>
    %dma_wait3A_58 = arith.constant 0 : i32
    %dma_wait3A_59 = tpu.memref_slice %arg8[%dma_wait3A, %dma_wait3A_58] : memref<2x1024xi32, #tpu.memory_space<vmem>> -> memref<1x1024xi32, #tpu.memory_space<vmem>>
    %dma_wait3A_60 = tpu.memref_squeeze %dma_wait3A_59 : memref<1x1024xi32, #tpu.memory_space<vmem>> -> memref<1024xi32, #tpu.memory_space<vmem>>
    %dma_wait3A_61 = arith.constant 0 : i32
    %dma_wait3A_62 = arith.constant 0 : i32
    %dma_wait3A_63 = tpu.memref_slice %arg4[%dma_wait3A_61, %dma_wait3A_62] : memref<1081344x32xf32, #tpu.memory_space<hbm>> -> memref<1081344x32xf32, #tpu.memory_space<hbm>>
    %dma_wait3A_64 = tpu.memref_slice %arg10[%dma_wait3A_53] : memref<2x!tpu.dma_semaphore, #tpu.memory_space<semaphore_mem>> -> memref<1x!tpu.dma_semaphore, #tpu.memory_space<semaphore_mem>>
    %dma_wait3A_65 = tpu.memref_squeeze %dma_wait3A_64 : memref<1x!tpu.dma_semaphore, #tpu.memory_space<semaphore_mem>> -> memref<!tpu.dma_semaphore, #tpu.memory_space<semaphore_mem>>
    tpu.wait_indirect_dma semaphore(%dma_wait3A_65 : memref<!tpu.dma_semaphore, #tpu.memory_space<semaphore_mem>>) src(%dma_wait3A_63 : memref<1081344x32xf32, #tpu.memory_space<hbm>>) dst(%dma_wait3A_57 : memref<1024x32xf32, #tpu.memory_space<vmem>>)
    %sub3A = arith.constant 1024 : i32
    %sub3A_66 = arith.subi %add3A_28, %sub3A : i32
    %dma_start3A_67 = arith.constant 0 : i32
    %dma_start3A_68 = arith.constant 0 : i32
    %dma_start3A_69 = arith.constant 0 : i32
    %dma_start3A_70 = arith.constant 0 : i32
    %dma_start3A_71 = tpu.memref_slice %arg9[%dma_start3A_67, %dma_start3A_69, %dma_start3A_70] : memref<2x1024x32xf32, #tpu.memory_space<vmem>> -> memref<1x1024x32xf32, #tpu.memory_space<vmem>>
    %dma_start3A_72 = tpu.memref_squeeze %dma_start3A_71 : memref<1x1024x32xf32, #tpu.memory_space<vmem>> -> memref<1024x32xf32, #tpu.memory_space<vmem>>
    %dma_start3A_73 = arith.constant 0 : i32
    %dma_start3A_74 = tpu.memref_slice %arg5[%sub3A_66, %dma_start3A_73] : memref<1048576x32xf32, #tpu.memory_space<hbm>> -> memref<1024x32xf32, #tpu.memory_space<hbm>>
    %dma_start3A_75 = tpu.memref_slice %arg11[%dma_start3A_68] : memref<2x!tpu.dma_semaphore, #tpu.memory_space<semaphore_mem>> -> memref<1x!tpu.dma_semaphore, #tpu.memory_space<semaphore_mem>>
    %dma_start3A_76 = tpu.memref_squeeze %dma_start3A_75 : memref<1x!tpu.dma_semaphore, #tpu.memory_space<semaphore_mem>> -> memref<!tpu.dma_semaphore, #tpu.memory_space<semaphore_mem>>
    %dma_start3A_77 = arith.constant 0 : i32
    %dma_start3A_78 = tpu.memref_slice %arg5[%sub3A_66, %dma_start3A_77] : memref<1048576x32xf32, #tpu.memory_space<hbm>> -> memref<1024x32xf32, #tpu.memory_space<hbm>>
    %dma_start3A_79 = arith.constant 0 : i32
    %dma_start3A_80 = arith.constant 0 : i32
    %dma_start3A_81 = tpu.memref_slice %arg9[%dma_start3A_67, %dma_start3A_79, %dma_start3A_80] : memref<2x1024x32xf32, #tpu.memory_space<vmem>> -> memref<1x1024x32xf32, #tpu.memory_space<vmem>>
    %dma_start3A_82 = tpu.memref_squeeze %dma_start3A_81 : memref<1x1024x32xf32, #tpu.memory_space<vmem>> -> memref<1024x32xf32, #tpu.memory_space<vmem>>
    tpu.enqueue_dma source(%dma_start3A_82 : memref<1024x32xf32, #tpu.memory_space<vmem>>) target(%dma_start3A_78 : memref<1024x32xf32, #tpu.memory_space<hbm>>) target_semaphore(%dma_start3A_76 : memref<!tpu.dma_semaphore, #tpu.memory_space<semaphore_mem>>)
    %scan3A_83 = arith.constant 0 : i32
    %scan3A_84 = arith.constant 15 : i32
    %scan3A_85 = arith.addi %scan3A_83, %scan3A_84 : i32
    %scan3A_86 = arith.constant 1 : i32
    scf.for %scan3A_122 = %scan3A_83 to %scan3A_85 step %scan3A_86  : i32 {
      %mul3A_123 = arith.constant 2 : i32
      %mul3A_124 = arith.muli %scan3A_122, %mul3A_123 : i32
      %add3A_125 = arith.constant 2 : i32
      %add3A_126 = arith.addi %add3A_125, %mul3A_124 : i32
      %add3A_127 = arith.constant 0 : i32
      %add3A_128 = arith.addi %add3A_126, %add3A_127 : i32
      %mul3A_129 = arith.constant 1024 : i32
      %mul3A_130 = arith.muli %add3A_128, %mul3A_129 : i32
      %add3A_131 = arith.addi %mul3A_4, %mul3A_130 : i32
      %run_scoped3A_132 = arith.constant 0 : i32
      "tpu.region"() ({
        %run_scoped3A_281 = tpu.sem_alloc : memref<!tpu.dma_semaphore, #tpu.memory_space<semaphore_mem>>
        %dma_start3A_282 = arith.constant 0 : i32
        %dma_start3A_283 = tpu.memref_slice %arg6[%run_scoped3A_132, %dma_start3A_282] : memref<2x1024xi32, #tpu.memory_space<vmem>> -> memref<1x1024xi32, #tpu.memory_space<vmem>>
        %dma_start3A_284 = tpu.memref_squeeze %dma_start3A_283 : memref<1x1024xi32, #tpu.memory_space<vmem>> -> memref<1024xi32, #tpu.memory_space<vmem>>
        %dma_start3A_285 = tpu.memref_slice %arg2[%add3A_131] : memref<1048576xi32, #tpu.memory_space<hbm>> -> memref<1024xi32, #tpu.memory_space<hbm>>
        %dma_start3A_286 = arith.constant 0 : i32
        %dma_start3A_287 = tpu.memref_slice %arg6[%run_scoped3A_132, %dma_start3A_286] : memref<2x1024xi32, #tpu.memory_space<vmem>> -> memref<1x1024xi32, #tpu.memory_space<vmem>>
        %dma_start3A_288 = tpu.memref_squeeze %dma_start3A_287 : memref<1x1024xi32, #tpu.memory_space<vmem>> -> memref<1024xi32, #tpu.memory_space<vmem>>
        %dma_start3A_289 = tpu.memref_slice %arg2[%add3A_131] : memref<1048576xi32, #tpu.memory_space<hbm>> -> memref<1024xi32, #tpu.memory_space<hbm>>
        tpu.enqueue_dma source(%dma_start3A_289 : memref<1024xi32, #tpu.memory_space<hbm>>) target(%dma_start3A_288 : memref<1024xi32, #tpu.memory_space<vmem>>) target_semaphore(%run_scoped3A_281 : memref<!tpu.dma_semaphore, #tpu.memory_space<semaphore_mem>>)
        %dma_wait3A_290 = arith.constant 0 : i32
        %dma_wait3A_291 = tpu.memref_slice %arg6[%run_scoped3A_132, %dma_wait3A_290] : memref<2x1024xi32, #tpu.memory_space<vmem>> -> memref<1x1024xi32, #tpu.memory_space<vmem>>
        %dma_wait3A_292 = tpu.memref_squeeze %dma_wait3A_291 : memref<1x1024xi32, #tpu.memory_space<vmem>> -> memref<1024xi32, #tpu.memory_space<vmem>>
        %dma_wait3A_293 = tpu.memref_slice %arg2[%add3A_131] : memref<1048576xi32, #tpu.memory_space<hbm>> -> memref<1024xi32, #tpu.memory_space<hbm>>
        %dma_wait3A_294 = arith.constant 0 : i32
        %dma_wait3A_295 = tpu.memref_slice %arg6[%run_scoped3A_132, %dma_wait3A_294] : memref<2x1024xi32, #tpu.memory_space<vmem>> -> memref<1x1024xi32, #tpu.memory_space<vmem>>
        %dma_wait3A_296 = tpu.memref_squeeze %dma_wait3A_295 : memref<1x1024xi32, #tpu.memory_space<vmem>> -> memref<1024xi32, #tpu.memory_space<vmem>>
        %dma_wait3A_297 = tpu.memref_slice %arg2[%add3A_131] : memref<1048576xi32, #tpu.memory_space<hbm>> -> memref<1024xi32, #tpu.memory_space<hbm>>
        tpu.wait_dma2 semaphore(%run_scoped3A_281 : memref<!tpu.dma_semaphore, #tpu.memory_space<semaphore_mem>>) src(%dma_wait3A_297 : memref<1024xi32, #tpu.memory_space<hbm>>) dst(%dma_wait3A_296 : memref<1024xi32, #tpu.memory_space<vmem>>)
        tpu.yield
      }) : () -> ()
      %run_scoped3A_133 = arith.constant 0 : i32
      %run_scoped3A_134 = arith.constant 0 : i32
      "tpu.region"() ({
        %run_scoped3A_281 = tpu.sem_alloc : memref<!tpu.dma_semaphore, #tpu.memory_space<semaphore_mem>>
        %dma_start3A_282 = arith.constant 0 : i32
        %dma_start3A_283 = tpu.memref_slice %arg7[%run_scoped3A_134, %dma_start3A_282] : memref<2x1024xi32, #tpu.memory_space<vmem>> -> memref<1x1024xi32, #tpu.memory_space<vmem>>
        %dma_start3A_284 = tpu.memref_squeeze %dma_start3A_283 : memref<1x1024xi32, #tpu.memory_space<vmem>> -> memref<1024xi32, #tpu.memory_space<vmem>>
        %dma_start3A_285 = arith.constant 0 : i32
        %dma_start3A_286 = tpu.memref_slice %arg6[%run_scoped3A_133, %dma_start3A_285] : memref<2x1024xi32, #tpu.memory_space<vmem>> -> memref<1x1024xi32, #tpu.memory_space<vmem>>
        %dma_start3A_287 = tpu.memref_squeeze %dma_start3A_286 : memref<1x1024xi32, #tpu.memory_space<vmem>> -> memref<1024xi32, #tpu.memory_space<vmem>>
        %dma_start3A_288 = arith.constant 0 : i32
        %dma_start3A_289 = tpu.memref_slice %arg3[%dma_start3A_288] : memref<4194304xi32, #tpu.memory_space<hbm>> -> memref<4194304xi32, #tpu.memory_space<hbm>>
        tpu.enqueue_indirect_dma source(%dma_start3A_289 : memref<4194304xi32, #tpu.memory_space<hbm>>) target(%dma_start3A_284 : memref<1024xi32, #tpu.memory_space<vmem>>) offsets(%dma_start3A_287 : memref<1024xi32, #tpu.memory_space<vmem>>) semaphore(%run_scoped3A_281 : memref<!tpu.dma_semaphore, #tpu.memory_space<semaphore_mem>>)
        %dma_wait3A_290 = arith.constant 0 : i32
        %dma_wait3A_291 = tpu.memref_slice %arg7[%run_scoped3A_134, %dma_wait3A_290] : memref<2x1024xi32, #tpu.memory_space<vmem>> -> memref<1x1024xi32, #tpu.memory_space<vmem>>
        %dma_wait3A_292 = tpu.memref_squeeze %dma_wait3A_291 : memref<1x1024xi32, #tpu.memory_space<vmem>> -> memref<1024xi32, #tpu.memory_space<vmem>>
        %dma_wait3A_293 = arith.constant 0 : i32
        %dma_wait3A_294 = tpu.memref_slice %arg6[%run_scoped3A_133, %dma_wait3A_293] : memref<2x1024xi32, #tpu.memory_space<vmem>> -> memref<1x1024xi32, #tpu.memory_space<vmem>>
        %dma_wait3A_295 = tpu.memref_squeeze %dma_wait3A_294 : memref<1x1024xi32, #tpu.memory_space<vmem>> -> memref<1024xi32, #tpu.memory_space<vmem>>
        %dma_wait3A_296 = arith.constant 0 : i32
        %dma_wait3A_297 = tpu.memref_slice %arg3[%dma_wait3A_296] : memref<4194304xi32, #tpu.memory_space<hbm>> -> memref<4194304xi32, #tpu.memory_space<hbm>>
        tpu.wait_indirect_dma semaphore(%run_scoped3A_281 : memref<!tpu.dma_semaphore, #tpu.memory_space<semaphore_mem>>) src(%dma_wait3A_297 : memref<4194304xi32, #tpu.memory_space<hbm>>) dst(%dma_wait3A_292 : memref<1024xi32, #tpu.memory_space<vmem>>)
        tpu.yield
      }) : () -> ()
      %scan3A_135 = arith.constant 0 : i32
      %scan3A_136 = arith.constant 64 : i32
      %scan3A_137 = arith.addi %scan3A_135, %scan3A_136 : i32
      %scan3A_138 = arith.constant 1 : i32
      scf.for %scan3A_281 = %scan3A_135 to %scan3A_137 step %scan3A_138  : i32 {
        %mul3A_282 = arith.constant 1 : i32
        %mul3A_283 = arith.muli %scan3A_281, %mul3A_282 : i32
        %add3A_284 = arith.constant 0 : i32
        %add3A_285 = arith.addi %add3A_284, %mul3A_283 : i32
        %mul3A_286 = arith.constant 16 : i32
        %mul3A_287 = arith.muli %mul3A_286, %add3A_285 : i32
        %get3A = arith.constant 0 : i32
        %get3A_288 = arith.index_cast %get3A : i32 to index
        %get3A_289 = arith.index_cast %mul3A_287 : i32 to index
        %get3A_290 = tpu.vector_load %arg7[%get3A_288, %get3A_289] {strides = array<i32>} : memref<2x1024xi32, #tpu.memory_space<vmem>>, vector<16xi32>,
        %mul3A_291 = arith.constant 16 : i32
        %mul3A_292 = arith.muli %mul3A_291, %add3A_285 : i32
        %add3A_293 = arith.addi %add3A_131, %mul3A_292 : i32
        %iota3A = tpu.iota {dimensions = array<i32: 0>} : vector<16xi32>
        %add3A_294 = vector.broadcast %add3A_293 : i32 to vector<16xi32>
        %add3A_295 = arith.addi %add3A_294, %iota3A : vector<16xi32>
        %gt3A = arith.constant 0 : i32
        %gt3A_296 = vector.broadcast %gt3A : i32 to vector<16xi32>
        %gt3A_297 = arith.cmpi sgt, %get3A_290, %gt3A_296 : vector<16xi32>
        %sub3A_298 = arith.constant 1 : i32
        %sub3A_299 = vector.broadcast %sub3A_298 : i32 to vector<16xi32>
        %sub3A_300 = arith.subi %get3A_290, %sub3A_299 : vector<16xi32>
        %and3A = arith.constant 32767 : i32
        %and3A_301 = vector.broadcast %and3A : i32 to vector<16xi32>
        %and3A_302 = arith.andi %add3A_295, %and3A_301 : vector<16xi32>
        %add3A_303 = arith.constant 1048576 : i32
        %add3A_304 = vector.broadcast %add3A_303 : i32 to vector<16xi32>
        %add3A_305 = arith.addi %add3A_304, %and3A_302 : vector<16xi32>
        %select_n3A = arith.select %gt3A_297, %sub3A_300, %add3A_305 : vector<16xi1>, vector<16xi32>
        %mul3A_306 = arith.constant 16 : i32
        %mul3A_307 = arith.muli %mul3A_306, %add3A_285 : i32
        %swap3A = arith.constant 0 : i32
        %swap3A_308 = arith.index_cast %swap3A : i32 to index
        %swap3A_309 = arith.index_cast %mul3A_307 : i32 to index
        %swap3A_310 = tpu.vector_load %arg8[%swap3A_308, %swap3A_309] {strides = array<i32>} : memref<2x1024xi32, #tpu.memory_space<vmem>>, vector<16xi32>,
        tpu.vector_store %arg8[%swap3A_308, %swap3A_309], %select_n3A {strides = array<i32>} : memref<2x1024xi32, #tpu.memory_space<vmem>>, vector<16xi32>,
      }
      %scan3A_139 = arith.constant 64 : i32
      %dma_wait3A_140 = arith.constant 0 : i32
      %dma_wait3A_141 = arith.constant 0 : i32
      %dma_wait3A_142 = arith.constant 0 : i32
      %dma_wait3A_143 = arith.constant 0 : i32
      %dma_wait3A_144 = tpu.memref_slice %arg9[%dma_wait3A_140, %dma_wait3A_142, %dma_wait3A_143] : memref<2x1024x32xf32, #tpu.memory_space<vmem>> -> memref<1x1024x32xf32, #tpu.memory_space<vmem>>
      %dma_wait3A_145 = tpu.memref_squeeze %dma_wait3A_144 : memref<1x1024x32xf32, #tpu.memory_space<vmem>> -> memref<1024x32xf32, #tpu.memory_space<vmem>>
      %dma_wait3A_146 = arith.constant 0 : i32
      %dma_wait3A_147 = tpu.memref_slice %arg5[%mul3A_4, %dma_wait3A_146] : memref<1048576x32xf32, #tpu.memory_space<hbm>> -> memref<1024x32xf32, #tpu.memory_space<hbm>>
      %dma_wait3A_148 = tpu.memref_slice %arg11[%dma_wait3A_141] : memref<2x!tpu.dma_semaphore, #tpu.memory_space<semaphore_mem>> -> memref<1x!tpu.dma_semaphore, #tpu.memory_space<semaphore_mem>>
      %dma_wait3A_149 = tpu.memref_squeeze %dma_wait3A_148 : memref<1x!tpu.dma_semaphore, #tpu.memory_space<semaphore_mem>> -> memref<!tpu.dma_semaphore, #tpu.memory_space<semaphore_mem>>
      %dma_wait3A_150 = arith.constant 0 : i32
      %dma_wait3A_151 = tpu.memref_slice %arg5[%mul3A_4, %dma_wait3A_150] : memref<1048576x32xf32, #tpu.memory_space<hbm>> -> memref<1024x32xf32, #tpu.memory_space<hbm>>
      %dma_wait3A_152 = arith.constant 0 : i32
      %dma_wait3A_153 = arith.constant 0 : i32
      %dma_wait3A_154 = tpu.memref_slice %arg9[%dma_wait3A_140, %dma_wait3A_152, %dma_wait3A_153] : memref<2x1024x32xf32, #tpu.memory_space<vmem>> -> memref<1x1024x32xf32, #tpu.memory_space<vmem>>
      %dma_wait3A_155 = tpu.memref_squeeze %dma_wait3A_154 : memref<1x1024x32xf32, #tpu.memory_space<vmem>> -> memref<1024x32xf32, #tpu.memory_space<vmem>>
      tpu.wait_dma2 semaphore(%dma_wait3A_149 : memref<!tpu.dma_semaphore, #tpu.memory_space<semaphore_mem>>) src(%dma_wait3A_155 : memref<1024x32xf32, #tpu.memory_space<vmem>>) dst(%dma_wait3A_151 : memref<1024x32xf32, #tpu.memory_space<hbm>>)
      %dma_start3A_156 = arith.constant 0 : i32
      %dma_start3A_157 = arith.constant 0 : i32
      %dma_start3A_158 = arith.constant 0 : i32
      %dma_start3A_159 = arith.constant 0 : i32
      %dma_start3A_160 = arith.constant 0 : i32
      %dma_start3A_161 = tpu.memref_slice %arg9[%dma_start3A_157, %dma_start3A_159, %dma_start3A_160] : memref<2x1024x32xf32, #tpu.memory_space<vmem>> -> memref<1x1024x32xf32, #tpu.memory_space<vmem>>
      %dma_start3A_162 = tpu.memref_squeeze %dma_start3A_161 : memref<1x1024x32xf32, #tpu.memory_space<vmem>> -> memref<1024x32xf32, #tpu.memory_space<vmem>>
      %dma_start3A_163 = arith.constant 0 : i32
      %dma_start3A_164 = tpu.memref_slice %arg8[%dma_start3A_156, %dma_start3A_163] : memref<2x1024xi32, #tpu.memory_space<vmem>> -> memref<1x1024xi32, #tpu.memory_space<vmem>>
      %dma_start3A_165 = tpu.memref_squeeze %dma_start3A_164 : memref<1x1024xi32, #tpu.memory_space<vmem>> -> memref<1024xi32, #tpu.memory_space<vmem>>
      %dma_start3A_166 = arith.constant 0 : i32
      %dma_start3A_167 = arith.constant 0 : i32
      %dma_start3A_168 = tpu.memref_slice %arg4[%dma_start3A_166, %dma_start3A_167] : memref<1081344x32xf32, #tpu.memory_space<hbm>> -> memref<1081344x32xf32, #tpu.memory_space<hbm>>
      %dma_start3A_169 = tpu.memref_slice %arg10[%dma_start3A_158] : memref<2x!tpu.dma_semaphore, #tpu.memory_space<semaphore_mem>> -> memref<1x!tpu.dma_semaphore, #tpu.memory_space<semaphore_mem>>
      %dma_start3A_170 = tpu.memref_squeeze %dma_start3A_169 : memref<1x!tpu.dma_semaphore, #tpu.memory_space<semaphore_mem>> -> memref<!tpu.dma_semaphore, #tpu.memory_space<semaphore_mem>>
      tpu.enqueue_indirect_dma source(%dma_start3A_168 : memref<1081344x32xf32, #tpu.memory_space<hbm>>) target(%dma_start3A_162 : memref<1024x32xf32, #tpu.memory_space<vmem>>) offsets(%dma_start3A_165 : memref<1024xi32, #tpu.memory_space<vmem>>) semaphore(%dma_start3A_170 : memref<!tpu.dma_semaphore, #tpu.memory_space<semaphore_mem>>)
      %dma_wait3A_171 = arith.constant 1 : i32
      %dma_wait3A_172 = arith.constant 1 : i32
      %dma_wait3A_173 = arith.constant 1 : i32
      %dma_wait3A_174 = arith.constant 0 : i32
      %dma_wait3A_175 = arith.constant 0 : i32
      %dma_wait3A_176 = tpu.memref_slice %arg9[%dma_wait3A_172, %dma_wait3A_174, %dma_wait3A_175] : memref<2x1024x32xf32, #tpu.memory_space<vmem>> -> memref<1x1024x32xf32, #tpu.memory_space<vmem>>
      %dma_wait3A_177 = tpu.memref_squeeze %dma_wait3A_176 : memref<1x1024x32xf32, #tpu.memory_space<vmem>> -> memref<1024x32xf32, #tpu.memory_space<vmem>>
      %dma_wait3A_178 = arith.constant 0 : i32
      %dma_wait3A_179 = tpu.memref_slice %arg8[%dma_wait3A_171, %dma_wait3A_178] : memref<2x1024xi32, #tpu.memory_space<vmem>> -> memref<1x1024xi32, #tpu.memory_space<vmem>>
      %dma_wait3A_180 = tpu.memref_squeeze %dma_wait3A_179 : memref<1x1024xi32, #tpu.memory_space<vmem>> -> memref<1024xi32, #tpu.memory_space<vmem>>
      %dma_wait3A_181 = arith.constant 0 : i32
      %dma_wait3A_182 = arith.constant 0 : i32
      %dma_wait3A_183 = tpu.memref_slice %arg4[%dma_wait3A_181, %dma_wait3A_182] : memref<1081344x32xf32, #tpu.memory_space<hbm>> -> memref<1081344x32xf32, #tpu.memory_space<hbm>>
      %dma_wait3A_184 = tpu.memref_slice %arg10[%dma_wait3A_173] : memref<2x!tpu.dma_semaphore, #tpu.memory_space<semaphore_mem>> -> memref<1x!tpu.dma_semaphore, #tpu.memory_space<semaphore_mem>>
      %dma_wait3A_185 = tpu.memref_squeeze %dma_wait3A_184 : memref<1x!tpu.dma_semaphore, #tpu.memory_space<semaphore_mem>> -> memref<!tpu.dma_semaphore, #tpu.memory_space<semaphore_mem>>
      tpu.wait_indirect_dma semaphore(%dma_wait3A_185 : memref<!tpu.dma_semaphore, #tpu.memory_space<semaphore_mem>>) src(%dma_wait3A_183 : memref<1081344x32xf32, #tpu.memory_space<hbm>>) dst(%dma_wait3A_177 : memref<1024x32xf32, #tpu.memory_space<vmem>>)
      %sub3A_186 = arith.constant 1024 : i32
      %sub3A_187 = arith.subi %add3A_131, %sub3A_186 : i32
      %dma_start3A_188 = arith.constant 1 : i32
      %dma_start3A_189 = arith.constant 1 : i32
      %dma_start3A_190 = arith.constant 0 : i32
      %dma_start3A_191 = arith.constant 0 : i32
      %dma_start3A_192 = tpu.memref_slice %arg9[%dma_start3A_188, %dma_start3A_190, %dma_start3A_191] : memref<2x1024x32xf32, #tpu.memory_space<vmem>> -> memref<1x1024x32xf32, #tpu.memory_space<vmem>>
      %dma_start3A_193 = tpu.memref_squeeze %dma_start3A_192 : memref<1x1024x32xf32, #tpu.memory_space<vmem>> -> memref<1024x32xf32, #tpu.memory_space<vmem>>
      %dma_start3A_194 = arith.constant 0 : i32
      %dma_start3A_195 = tpu.memref_slice %arg5[%sub3A_187, %dma_start3A_194] : memref<1048576x32xf32, #tpu.memory_space<hbm>> -> memref<1024x32xf32, #tpu.memory_space<hbm>>
      %dma_start3A_196 = tpu.memref_slice %arg11[%dma_start3A_189] : memref<2x!tpu.dma_semaphore, #tpu.memory_space<semaphore_mem>> -> memref<1x!tpu.dma_semaphore, #tpu.memory_space<semaphore_mem>>
      %dma_start3A_197 = tpu.memref_squeeze %dma_start3A_196 : memref<1x!tpu.dma_semaphore, #tpu.memory_space<semaphore_mem>> -> memref<!tpu.dma_semaphore, #tpu.memory_space<semaphore_mem>>
      %dma_start3A_198 = arith.constant 0 : i32
      %dma_start3A_199 = tpu.memref_slice %arg5[%sub3A_187, %dma_start3A_198] : memref<1048576x32xf32, #tpu.memory_space<hbm>> -> memref<1024x32xf32, #tpu.memory_space<hbm>>
      %dma_start3A_200 = arith.constant 0 : i32
      %dma_start3A_201 = arith.constant 0 : i32
      %dma_start3A_202 = tpu.memref_slice %arg9[%dma_start3A_188, %dma_start3A_200, %dma_start3A_201] : memref<2x1024x32xf32, #tpu.memory_space<vmem>> -> memref<1x1024x32xf32, #tpu.memory_space<vmem>>
      %dma_start3A_203 = tpu.memref_squeeze %dma_start3A_202 : memref<1x1024x32xf32, #tpu.memory_space<vmem>> -> memref<1024x32xf32, #tpu.memory_space<vmem>>
      tpu.enqueue_dma source(%dma_start3A_203 : memref<1024x32xf32, #tpu.memory_space<vmem>>) target(%dma_start3A_199 : memref<1024x32xf32, #tpu.memory_space<hbm>>) target_semaphore(%dma_start3A_197 : memref<!tpu.dma_semaphore, #tpu.memory_space<semaphore_mem>>)
      %add3A_204 = arith.constant 1 : i32
      %add3A_205 = arith.addi %add3A_126, %add3A_204 : i32
      %mul3A_206 = arith.constant 1024 : i32
      %mul3A_207 = arith.muli %add3A_205, %mul3A_206 : i32
      %add3A_208 = arith.addi %mul3A_4, %mul3A_207 : i32
      %run_scoped3A_209 = arith.constant 1 : i32
      "tpu.region"() ({
        %run_scoped3A_281 = tpu.sem_alloc : memref<!tpu.dma_semaphore, #tpu.memory_space<semaphore_mem>>
        %dma_start3A_282 = arith.constant 0 : i32
        %dma_start3A_283 = tpu.memref_slice %arg6[%run_scoped3A_209, %dma_start3A_282] : memref<2x1024xi32, #tpu.memory_space<vmem>> -> memref<1x1024xi32, #tpu.memory_space<vmem>>
        %dma_start3A_284 = tpu.memref_squeeze %dma_start3A_283 : memref<1x1024xi32, #tpu.memory_space<vmem>> -> memref<1024xi32, #tpu.memory_space<vmem>>
        %dma_start3A_285 = tpu.memref_slice %arg2[%add3A_208] : memref<1048576xi32, #tpu.memory_space<hbm>> -> memref<1024xi32, #tpu.memory_space<hbm>>
        %dma_start3A_286 = arith.constant 0 : i32
        %dma_start3A_287 = tpu.memref_slice %arg6[%run_scoped3A_209, %dma_start3A_286] : memref<2x1024xi32, #tpu.memory_space<vmem>> -> memref<1x1024xi32, #tpu.memory_space<vmem>>
        %dma_start3A_288 = tpu.memref_squeeze %dma_start3A_287 : memref<1x1024xi32, #tpu.memory_space<vmem>> -> memref<1024xi32, #tpu.memory_space<vmem>>
        %dma_start3A_289 = tpu.memref_slice %arg2[%add3A_208] : memref<1048576xi32, #tpu.memory_space<hbm>> -> memref<1024xi32, #tpu.memory_space<hbm>>
        tpu.enqueue_dma source(%dma_start3A_289 : memref<1024xi32, #tpu.memory_space<hbm>>) target(%dma_start3A_288 : memref<1024xi32, #tpu.memory_space<vmem>>) target_semaphore(%run_scoped3A_281 : memref<!tpu.dma_semaphore, #tpu.memory_space<semaphore_mem>>)
        %dma_wait3A_290 = arith.constant 0 : i32
        %dma_wait3A_291 = tpu.memref_slice %arg6[%run_scoped3A_209, %dma_wait3A_290] : memref<2x1024xi32, #tpu.memory_space<vmem>> -> memref<1x1024xi32, #tpu.memory_space<vmem>>
        %dma_wait3A_292 = tpu.memref_squeeze %dma_wait3A_291 : memref<1x1024xi32, #tpu.memory_space<vmem>> -> memref<1024xi32, #tpu.memory_space<vmem>>
        %dma_wait3A_293 = tpu.memref_slice %arg2[%add3A_208] : memref<1048576xi32, #tpu.memory_space<hbm>> -> memref<1024xi32, #tpu.memory_space<hbm>>
        %dma_wait3A_294 = arith.constant 0 : i32
        %dma_wait3A_295 = tpu.memref_slice %arg6[%run_scoped3A_209, %dma_wait3A_294] : memref<2x1024xi32, #tpu.memory_space<vmem>> -> memref<1x1024xi32, #tpu.memory_space<vmem>>
        %dma_wait3A_296 = tpu.memref_squeeze %dma_wait3A_295 : memref<1x1024xi32, #tpu.memory_space<vmem>> -> memref<1024xi32, #tpu.memory_space<vmem>>
        %dma_wait3A_297 = tpu.memref_slice %arg2[%add3A_208] : memref<1048576xi32, #tpu.memory_space<hbm>> -> memref<1024xi32, #tpu.memory_space<hbm>>
        tpu.wait_dma2 semaphore(%run_scoped3A_281 : memref<!tpu.dma_semaphore, #tpu.memory_space<semaphore_mem>>) src(%dma_wait3A_297 : memref<1024xi32, #tpu.memory_space<hbm>>) dst(%dma_wait3A_296 : memref<1024xi32, #tpu.memory_space<vmem>>)
        tpu.yield
      }) : () -> ()
      %run_scoped3A_210 = arith.constant 1 : i32
      %run_scoped3A_211 = arith.constant 1 : i32
      "tpu.region"() ({
        %run_scoped3A_281 = tpu.sem_alloc : memref<!tpu.dma_semaphore, #tpu.memory_space<semaphore_mem>>
        %dma_start3A_282 = arith.constant 0 : i32
        %dma_start3A_283 = tpu.memref_slice %arg7[%run_scoped3A_211, %dma_start3A_282] : memref<2x1024xi32, #tpu.memory_space<vmem>> -> memref<1x1024xi32, #tpu.memory_space<vmem>>
        %dma_start3A_284 = tpu.memref_squeeze %dma_start3A_283 : memref<1x1024xi32, #tpu.memory_space<vmem>> -> memref<1024xi32, #tpu.memory_space<vmem>>
        %dma_start3A_285 = arith.constant 0 : i32
        %dma_start3A_286 = tpu.memref_slice %arg6[%run_scoped3A_210, %dma_start3A_285] : memref<2x1024xi32, #tpu.memory_space<vmem>> -> memref<1x1024xi32, #tpu.memory_space<vmem>>
        %dma_start3A_287 = tpu.memref_squeeze %dma_start3A_286 : memref<1x1024xi32, #tpu.memory_space<vmem>> -> memref<1024xi32, #tpu.memory_space<vmem>>
        %dma_start3A_288 = arith.constant 0 : i32
        %dma_start3A_289 = tpu.memref_slice %arg3[%dma_start3A_288] : memref<4194304xi32, #tpu.memory_space<hbm>> -> memref<4194304xi32, #tpu.memory_space<hbm>>
        tpu.enqueue_indirect_dma source(%dma_start3A_289 : memref<4194304xi32, #tpu.memory_space<hbm>>) target(%dma_start3A_284 : memref<1024xi32, #tpu.memory_space<vmem>>) offsets(%dma_start3A_287 : memref<1024xi32, #tpu.memory_space<vmem>>) semaphore(%run_scoped3A_281 : memref<!tpu.dma_semaphore, #tpu.memory_space<semaphore_mem>>)
        %dma_wait3A_290 = arith.constant 0 : i32
        %dma_wait3A_291 = tpu.memref_slice %arg7[%run_scoped3A_211, %dma_wait3A_290] : memref<2x1024xi32, #tpu.memory_space<vmem>> -> memref<1x1024xi32, #tpu.memory_space<vmem>>
        %dma_wait3A_292 = tpu.memref_squeeze %dma_wait3A_291 : memref<1x1024xi32, #tpu.memory_space<vmem>> -> memref<1024xi32, #tpu.memory_space<vmem>>
        %dma_wait3A_293 = arith.constant 0 : i32
        %dma_wait3A_294 = tpu.memref_slice %arg6[%run_scoped3A_210, %dma_wait3A_293] : memref<2x1024xi32, #tpu.memory_space<vmem>> -> memref<1x1024xi32, #tpu.memory_space<vmem>>
        %dma_wait3A_295 = tpu.memref_squeeze %dma_wait3A_294 : memref<1x1024xi32, #tpu.memory_space<vmem>> -> memref<1024xi32, #tpu.memory_space<vmem>>
        %dma_wait3A_296 = arith.constant 0 : i32
        %dma_wait3A_297 = tpu.memref_slice %arg3[%dma_wait3A_296] : memref<4194304xi32, #tpu.memory_space<hbm>> -> memref<4194304xi32, #tpu.memory_space<hbm>>
        tpu.wait_indirect_dma semaphore(%run_scoped3A_281 : memref<!tpu.dma_semaphore, #tpu.memory_space<semaphore_mem>>) src(%dma_wait3A_297 : memref<4194304xi32, #tpu.memory_space<hbm>>) dst(%dma_wait3A_292 : memref<1024xi32, #tpu.memory_space<vmem>>)
        tpu.yield
      }) : () -> ()
      %scan3A_212 = arith.constant 0 : i32
      %scan3A_213 = arith.constant 64 : i32
      %scan3A_214 = arith.addi %scan3A_212, %scan3A_213 : i32
      %scan3A_215 = arith.constant 1 : i32
      scf.for %scan3A_281 = %scan3A_212 to %scan3A_214 step %scan3A_215  : i32 {
        %mul3A_282 = arith.constant 1 : i32
        %mul3A_283 = arith.muli %scan3A_281, %mul3A_282 : i32
        %add3A_284 = arith.constant 0 : i32
        %add3A_285 = arith.addi %add3A_284, %mul3A_283 : i32
        %mul3A_286 = arith.constant 16 : i32
        %mul3A_287 = arith.muli %mul3A_286, %add3A_285 : i32
        %get3A = arith.constant 1 : i32
        %get3A_288 = arith.index_cast %get3A : i32 to index
        %get3A_289 = arith.index_cast %mul3A_287 : i32 to index
        %get3A_290 = tpu.vector_load %arg7[%get3A_288, %get3A_289] {strides = array<i32>} : memref<2x1024xi32, #tpu.memory_space<vmem>>, vector<16xi32>,
        %mul3A_291 = arith.constant 16 : i32
        %mul3A_292 = arith.muli %mul3A_291, %add3A_285 : i32
        %add3A_293 = arith.addi %add3A_208, %mul3A_292 : i32
        %iota3A = tpu.iota {dimensions = array<i32: 0>} : vector<16xi32>
        %add3A_294 = vector.broadcast %add3A_293 : i32 to vector<16xi32>
        %add3A_295 = arith.addi %add3A_294, %iota3A : vector<16xi32>
        %gt3A = arith.constant 0 : i32
        %gt3A_296 = vector.broadcast %gt3A : i32 to vector<16xi32>
        %gt3A_297 = arith.cmpi sgt, %get3A_290, %gt3A_296 : vector<16xi32>
        %sub3A_298 = arith.constant 1 : i32
        %sub3A_299 = vector.broadcast %sub3A_298 : i32 to vector<16xi32>
        %sub3A_300 = arith.subi %get3A_290, %sub3A_299 : vector<16xi32>
        %and3A = arith.constant 32767 : i32
        %and3A_301 = vector.broadcast %and3A : i32 to vector<16xi32>
        %and3A_302 = arith.andi %add3A_295, %and3A_301 : vector<16xi32>
        %add3A_303 = arith.constant 1048576 : i32
        %add3A_304 = vector.broadcast %add3A_303 : i32 to vector<16xi32>
        %add3A_305 = arith.addi %add3A_304, %and3A_302 : vector<16xi32>
        %select_n3A = arith.select %gt3A_297, %sub3A_300, %add3A_305 : vector<16xi1>, vector<16xi32>
        %mul3A_306 = arith.constant 16 : i32
        %mul3A_307 = arith.muli %mul3A_306, %add3A_285 : i32
        %swap3A = arith.constant 1 : i32
        %swap3A_308 = arith.index_cast %swap3A : i32 to index
        %swap3A_309 = arith.index_cast %mul3A_307 : i32 to index
        %swap3A_310 = tpu.vector_load %arg8[%swap3A_308, %swap3A_309] {strides = array<i32>} : memref<2x1024xi32, #tpu.memory_space<vmem>>, vector<16xi32>,
        tpu.vector_store %arg8[%swap3A_308, %swap3A_309], %select_n3A {strides = array<i32>} : memref<2x1024xi32, #tpu.memory_space<vmem>>, vector<16xi32>,
      }
      %scan3A_216 = arith.constant 64 : i32
      %dma_wait3A_217 = arith.constant 1 : i32
      %dma_wait3A_218 = arith.constant 1 : i32
      %dma_wait3A_219 = arith.constant 0 : i32
      %dma_wait3A_220 = arith.constant 0 : i32
      %dma_wait3A_221 = tpu.memref_slice %arg9[%dma_wait3A_217, %dma_wait3A_219, %dma_wait3A_220] : memref<2x1024x32xf32, #tpu.memory_space<vmem>> -> memref<1x1024x32xf32, #tpu.memory_space<vmem>>
      %dma_wait3A_222 = tpu.memref_squeeze %dma_wait3A_221 : memref<1x1024x32xf32, #tpu.memory_space<vmem>> -> memref<1024x32xf32, #tpu.memory_space<vmem>>
      %dma_wait3A_223 = arith.constant 0 : i32
      %dma_wait3A_224 = tpu.memref_slice %arg5[%mul3A_4, %dma_wait3A_223] : memref<1048576x32xf32, #tpu.memory_space<hbm>> -> memref<1024x32xf32, #tpu.memory_space<hbm>>
      %dma_wait3A_225 = tpu.memref_slice %arg11[%dma_wait3A_218] : memref<2x!tpu.dma_semaphore, #tpu.memory_space<semaphore_mem>> -> memref<1x!tpu.dma_semaphore, #tpu.memory_space<semaphore_mem>>
      %dma_wait3A_226 = tpu.memref_squeeze %dma_wait3A_225 : memref<1x!tpu.dma_semaphore, #tpu.memory_space<semaphore_mem>> -> memref<!tpu.dma_semaphore, #tpu.memory_space<semaphore_mem>>
      %dma_wait3A_227 = arith.constant 0 : i32
      %dma_wait3A_228 = tpu.memref_slice %arg5[%mul3A_4, %dma_wait3A_227] : memref<1048576x32xf32, #tpu.memory_space<hbm>> -> memref<1024x32xf32, #tpu.memory_space<hbm>>
      %dma_wait3A_229 = arith.constant 0 : i32
      %dma_wait3A_230 = arith.constant 0 : i32
      %dma_wait3A_231 = tpu.memref_slice %arg9[%dma_wait3A_217, %dma_wait3A_229, %dma_wait3A_230] : memref<2x1024x32xf32, #tpu.memory_space<vmem>> -> memref<1x1024x32xf32, #tpu.memory_space<vmem>>
      %dma_wait3A_232 = tpu.memref_squeeze %dma_wait3A_231 : memref<1x1024x32xf32, #tpu.memory_space<vmem>> -> memref<1024x32xf32, #tpu.memory_space<vmem>>
      tpu.wait_dma2 semaphore(%dma_wait3A_226 : memref<!tpu.dma_semaphore, #tpu.memory_space<semaphore_mem>>) src(%dma_wait3A_232 : memref<1024x32xf32, #tpu.memory_space<vmem>>) dst(%dma_wait3A_228 : memref<1024x32xf32, #tpu.memory_space<hbm>>)
      %dma_start3A_233 = arith.constant 1 : i32
      %dma_start3A_234 = arith.constant 1 : i32
      %dma_start3A_235 = arith.constant 1 : i32
      %dma_start3A_236 = arith.constant 0 : i32
      %dma_start3A_237 = arith.constant 0 : i32
      %dma_start3A_238 = tpu.memref_slice %arg9[%dma_start3A_234, %dma_start3A_236, %dma_start3A_237] : memref<2x1024x32xf32, #tpu.memory_space<vmem>> -> memref<1x1024x32xf32, #tpu.memory_space<vmem>>
      %dma_start3A_239 = tpu.memref_squeeze %dma_start3A_238 : memref<1x1024x32xf32, #tpu.memory_space<vmem>> -> memref<1024x32xf32, #tpu.memory_space<vmem>>
      %dma_start3A_240 = arith.constant 0 : i32
      %dma_start3A_241 = tpu.memref_slice %arg8[%dma_start3A_233, %dma_start3A_240] : memref<2x1024xi32, #tpu.memory_space<vmem>> -> memref<1x1024xi32, #tpu.memory_space<vmem>>
      %dma_start3A_242 = tpu.memref_squeeze %dma_start3A_241 : memref<1x1024xi32, #tpu.memory_space<vmem>> -> memref<1024xi32, #tpu.memory_space<vmem>>
      %dma_start3A_243 = arith.constant 0 : i32
      %dma_start3A_244 = arith.constant 0 : i32
      %dma_start3A_245 = tpu.memref_slice %arg4[%dma_start3A_243, %dma_start3A_244] : memref<1081344x32xf32, #tpu.memory_space<hbm>> -> memref<1081344x32xf32, #tpu.memory_space<hbm>>
      %dma_start3A_246 = tpu.memref_slice %arg10[%dma_start3A_235] : memref<2x!tpu.dma_semaphore, #tpu.memory_space<semaphore_mem>> -> memref<1x!tpu.dma_semaphore, #tpu.memory_space<semaphore_mem>>
      %dma_start3A_247 = tpu.memref_squeeze %dma_start3A_246 : memref<1x!tpu.dma_semaphore, #tpu.memory_space<semaphore_mem>> -> memref<!tpu.dma_semaphore, #tpu.memory_space<semaphore_mem>>
      tpu.enqueue_indirect_dma source(%dma_start3A_245 : memref<1081344x32xf32, #tpu.memory_space<hbm>>) target(%dma_start3A_239 : memref<1024x32xf32, #tpu.memory_space<vmem>>) offsets(%dma_start3A_242 : memref<1024xi32, #tpu.memory_space<vmem>>) semaphore(%dma_start3A_247 : memref<!tpu.dma_semaphore, #tpu.memory_space<semaphore_mem>>)
      %dma_wait3A_248 = arith.constant 0 : i32
      %dma_wait3A_249 = arith.constant 0 : i32
      %dma_wait3A_250 = arith.constant 0 : i32
      %dma_wait3A_251 = arith.constant 0 : i32
      %dma_wait3A_252 = arith.constant 0 : i32
      %dma_wait3A_253 = tpu.memref_slice %arg9[%dma_wait3A_249, %dma_wait3A_251, %dma_wait3A_252] : memref<2x1024x32xf32, #tpu.memory_space<vmem>> -> memref<1x1024x32xf32, #tpu.memory_space<vmem>>
      %dma_wait3A_254 = tpu.memref_squeeze %dma_wait3A_253 : memref<1x1024x32xf32, #tpu.memory_space<vmem>> -> memref<1024x32xf32, #tpu.memory_space<vmem>>
      %dma_wait3A_255 = arith.constant 0 : i32
      %dma_wait3A_256 = tpu.memref_slice %arg8[%dma_wait3A_248, %dma_wait3A_255] : memref<2x1024xi32, #tpu.memory_space<vmem>> -> memref<1x1024xi32, #tpu.memory_space<vmem>>
      %dma_wait3A_257 = tpu.memref_squeeze %dma_wait3A_256 : memref<1x1024xi32, #tpu.memory_space<vmem>> -> memref<1024xi32, #tpu.memory_space<vmem>>
      %dma_wait3A_258 = arith.constant 0 : i32
      %dma_wait3A_259 = arith.constant 0 : i32
      %dma_wait3A_260 = tpu.memref_slice %arg4[%dma_wait3A_258, %dma_wait3A_259] : memref<1081344x32xf32, #tpu.memory_space<hbm>> -> memref<1081344x32xf32, #tpu.memory_space<hbm>>
      %dma_wait3A_261 = tpu.memref_slice %arg10[%dma_wait3A_250] : memref<2x!tpu.dma_semaphore, #tpu.memory_space<semaphore_mem>> -> memref<1x!tpu.dma_semaphore, #tpu.memory_space<semaphore_mem>>
      %dma_wait3A_262 = tpu.memref_squeeze %dma_wait3A_261 : memref<1x!tpu.dma_semaphore, #tpu.memory_space<semaphore_mem>> -> memref<!tpu.dma_semaphore, #tpu.memory_space<semaphore_mem>>
      tpu.wait_indirect_dma semaphore(%dma_wait3A_262 : memref<!tpu.dma_semaphore, #tpu.memory_space<semaphore_mem>>) src(%dma_wait3A_260 : memref<1081344x32xf32, #tpu.memory_space<hbm>>) dst(%dma_wait3A_254 : memref<1024x32xf32, #tpu.memory_space<vmem>>)
      %sub3A_263 = arith.constant 1024 : i32
      %sub3A_264 = arith.subi %add3A_208, %sub3A_263 : i32
      %dma_start3A_265 = arith.constant 0 : i32
      %dma_start3A_266 = arith.constant 0 : i32
      %dma_start3A_267 = arith.constant 0 : i32
      %dma_start3A_268 = arith.constant 0 : i32
      %dma_start3A_269 = tpu.memref_slice %arg9[%dma_start3A_265, %dma_start3A_267, %dma_start3A_268] : memref<2x1024x32xf32, #tpu.memory_space<vmem>> -> memref<1x1024x32xf32, #tpu.memory_space<vmem>>
      %dma_start3A_270 = tpu.memref_squeeze %dma_start3A_269 : memref<1x1024x32xf32, #tpu.memory_space<vmem>> -> memref<1024x32xf32, #tpu.memory_space<vmem>>
      %dma_start3A_271 = arith.constant 0 : i32
      %dma_start3A_272 = tpu.memref_slice %arg5[%sub3A_264, %dma_start3A_271] : memref<1048576x32xf32, #tpu.memory_space<hbm>> -> memref<1024x32xf32, #tpu.memory_space<hbm>>
      %dma_start3A_273 = tpu.memref_slice %arg11[%dma_start3A_266] : memref<2x!tpu.dma_semaphore, #tpu.memory_space<semaphore_mem>> -> memref<1x!tpu.dma_semaphore, #tpu.memory_space<semaphore_mem>>
      %dma_start3A_274 = tpu.memref_squeeze %dma_start3A_273 : memref<1x!tpu.dma_semaphore, #tpu.memory_space<semaphore_mem>> -> memref<!tpu.dma_semaphore, #tpu.memory_space<semaphore_mem>>
      %dma_start3A_275 = arith.constant 0 : i32
      %dma_start3A_276 = tpu.memref_slice %arg5[%sub3A_264, %dma_start3A_275] : memref<1048576x32xf32, #tpu.memory_space<hbm>> -> memref<1024x32xf32, #tpu.memory_space<hbm>>
      %dma_start3A_277 = arith.constant 0 : i32
      %dma_start3A_278 = arith.constant 0 : i32
      %dma_start3A_279 = tpu.memref_slice %arg9[%dma_start3A_265, %dma_start3A_277, %dma_start3A_278] : memref<2x1024x32xf32, #tpu.memory_space<vmem>> -> memref<1x1024x32xf32, #tpu.memory_space<vmem>>
      %dma_start3A_280 = tpu.memref_squeeze %dma_start3A_279 : memref<1x1024x32xf32, #tpu.memory_space<vmem>> -> memref<1024x32xf32, #tpu.memory_space<vmem>>
      tpu.enqueue_dma source(%dma_start3A_280 : memref<1024x32xf32, #tpu.memory_space<vmem>>) target(%dma_start3A_276 : memref<1024x32xf32, #tpu.memory_space<hbm>>) target_semaphore(%dma_start3A_274 : memref<!tpu.dma_semaphore, #tpu.memory_space<semaphore_mem>>)
    }
    %scan3A_87 = arith.constant 15 : i32
    %dma_wait3A_88 = arith.constant 1 : i32
    %dma_wait3A_89 = arith.constant 1 : i32
    %dma_wait3A_90 = arith.constant 1 : i32
    %dma_wait3A_91 = arith.constant 0 : i32
    %dma_wait3A_92 = arith.constant 0 : i32
    %dma_wait3A_93 = tpu.memref_slice %arg9[%dma_wait3A_89, %dma_wait3A_91, %dma_wait3A_92] : memref<2x1024x32xf32, #tpu.memory_space<vmem>> -> memref<1x1024x32xf32, #tpu.memory_space<vmem>>
    %dma_wait3A_94 = tpu.memref_squeeze %dma_wait3A_93 : memref<1x1024x32xf32, #tpu.memory_space<vmem>> -> memref<1024x32xf32, #tpu.memory_space<vmem>>
    %dma_wait3A_95 = arith.constant 0 : i32
    %dma_wait3A_96 = tpu.memref_slice %arg8[%dma_wait3A_88, %dma_wait3A_95] : memref<2x1024xi32, #tpu.memory_space<vmem>> -> memref<1x1024xi32, #tpu.memory_space<vmem>>
    %dma_wait3A_97 = tpu.memref_squeeze %dma_wait3A_96 : memref<1x1024xi32, #tpu.memory_space<vmem>> -> memref<1024xi32, #tpu.memory_space<vmem>>
    %dma_wait3A_98 = arith.constant 0 : i32
    %dma_wait3A_99 = arith.constant 0 : i32
    %dma_wait3A_100 = tpu.memref_slice %arg4[%dma_wait3A_98, %dma_wait3A_99] : memref<1081344x32xf32, #tpu.memory_space<hbm>> -> memref<1081344x32xf32, #tpu.memory_space<hbm>>
    %dma_wait3A_101 = tpu.memref_slice %arg10[%dma_wait3A_90] : memref<2x!tpu.dma_semaphore, #tpu.memory_space<semaphore_mem>> -> memref<1x!tpu.dma_semaphore, #tpu.memory_space<semaphore_mem>>
    %dma_wait3A_102 = tpu.memref_squeeze %dma_wait3A_101 : memref<1x!tpu.dma_semaphore, #tpu.memory_space<semaphore_mem>> -> memref<!tpu.dma_semaphore, #tpu.memory_space<semaphore_mem>>
    tpu.wait_indirect_dma semaphore(%dma_wait3A_102 : memref<!tpu.dma_semaphore, #tpu.memory_space<semaphore_mem>>) src(%dma_wait3A_100 : memref<1081344x32xf32, #tpu.memory_space<hbm>>) dst(%dma_wait3A_94 : memref<1024x32xf32, #tpu.memory_space<vmem>>)
    %add3A_103 = arith.constant 31744 : i32
    %add3A_104 = arith.addi %mul3A_4, %add3A_103 : i32
    %run_scoped3A_105 = arith.constant 1 : i32
    "tpu.region"() ({
      %run_scoped3A_122 = tpu.sem_alloc : memref<!tpu.dma_semaphore, #tpu.memory_space<semaphore_mem>>
      %dma_start3A_123 = arith.constant 0 : i32
      %dma_start3A_124 = arith.constant 0 : i32
      %dma_start3A_125 = tpu.memref_slice %arg9[%run_scoped3A_105, %dma_start3A_123, %dma_start3A_124] : memref<2x1024x32xf32, #tpu.memory_space<vmem>> -> memref<1x1024x32xf32, #tpu.memory_space<vmem>>
      %dma_start3A_126 = tpu.memref_squeeze %dma_start3A_125 : memref<1x1024x32xf32, #tpu.memory_space<vmem>> -> memref<1024x32xf32, #tpu.memory_space<vmem>>
      %dma_start3A_127 = arith.constant 0 : i32
      %dma_start3A_128 = tpu.memref_slice %arg5[%add3A_104, %dma_start3A_127] : memref<1048576x32xf32, #tpu.memory_space<hbm>> -> memref<1024x32xf32, #tpu.memory_space<hbm>>
      %dma_start3A_129 = arith.constant 0 : i32
      %dma_start3A_130 = tpu.memref_slice %arg5[%add3A_104, %dma_start3A_129] : memref<1048576x32xf32, #tpu.memory_space<hbm>> -> memref<1024x32xf32, #tpu.memory_space<hbm>>
      %dma_start3A_131 = arith.constant 0 : i32
      %dma_start3A_132 = arith.constant 0 : i32
      %dma_start3A_133 = tpu.memref_slice %arg9[%run_scoped3A_105, %dma_start3A_131, %dma_start3A_132] : memref<2x1024x32xf32, #tpu.memory_space<vmem>> -> memref<1x1024x32xf32, #tpu.memory_space<vmem>>
      %dma_start3A_134 = tpu.memref_squeeze %dma_start3A_133 : memref<1x1024x32xf32, #tpu.memory_space<vmem>> -> memref<1024x32xf32, #tpu.memory_space<vmem>>
      tpu.enqueue_dma source(%dma_start3A_134 : memref<1024x32xf32, #tpu.memory_space<vmem>>) target(%dma_start3A_130 : memref<1024x32xf32, #tpu.memory_space<hbm>>) target_semaphore(%run_scoped3A_122 : memref<!tpu.dma_semaphore, #tpu.memory_space<semaphore_mem>>)
      %dma_wait3A_135 = arith.constant 0 : i32
      %dma_wait3A_136 = arith.constant 0 : i32
      %dma_wait3A_137 = tpu.memref_slice %arg9[%run_scoped3A_105, %dma_wait3A_135, %dma_wait3A_136] : memref<2x1024x32xf32, #tpu.memory_space<vmem>> -> memref<1x1024x32xf32, #tpu.memory_space<vmem>>
      %dma_wait3A_138 = tpu.memref_squeeze %dma_wait3A_137 : memref<1x1024x32xf32, #tpu.memory_space<vmem>> -> memref<1024x32xf32, #tpu.memory_space<vmem>>
      %dma_wait3A_139 = arith.constant 0 : i32
      %dma_wait3A_140 = tpu.memref_slice %arg5[%add3A_104, %dma_wait3A_139] : memref<1048576x32xf32, #tpu.memory_space<hbm>> -> memref<1024x32xf32, #tpu.memory_space<hbm>>
      %dma_wait3A_141 = arith.constant 0 : i32
      %dma_wait3A_142 = tpu.memref_slice %arg5[%add3A_104, %dma_wait3A_141] : memref<1048576x32xf32, #tpu.memory_space<hbm>> -> memref<1024x32xf32, #tpu.memory_space<hbm>>
      %dma_wait3A_143 = arith.constant 0 : i32
      %dma_wait3A_144 = arith.constant 0 : i32
      %dma_wait3A_145 = tpu.memref_slice %arg9[%run_scoped3A_105, %dma_wait3A_143, %dma_wait3A_144] : memref<2x1024x32xf32, #tpu.memory_space<vmem>> -> memref<1x1024x32xf32, #tpu.memory_space<vmem>>
      %dma_wait3A_146 = tpu.memref_squeeze %dma_wait3A_145 : memref<1x1024x32xf32, #tpu.memory_space<vmem>> -> memref<1024x32xf32, #tpu.memory_space<vmem>>
      tpu.wait_dma2 semaphore(%run_scoped3A_122 : memref<!tpu.dma_semaphore, #tpu.memory_space<semaphore_mem>>) src(%dma_wait3A_146 : memref<1024x32xf32, #tpu.memory_space<vmem>>) dst(%dma_wait3A_142 : memref<1024x32xf32, #tpu.memory_space<hbm>>)
      tpu.yield
    }) : () -> ()
    %dma_wait3A_106 = arith.constant 0 : i32
    %dma_wait3A_107 = arith.constant 0 : i32
    %dma_wait3A_108 = arith.constant 0 : i32
    %dma_wait3A_109 = arith.constant 0 : i32
    %dma_wait3A_110 = tpu.memref_slice %arg9[%dma_wait3A_106, %dma_wait3A_108, %dma_wait3A_109] : memref<2x1024x32xf32, #tpu.memory_space<vmem>> -> memref<1x1024x32xf32, #tpu.memory_space<vmem>>
    %dma_wait3A_111 = tpu.memref_squeeze %dma_wait3A_110 : memref<1x1024x32xf32, #tpu.memory_space<vmem>> -> memref<1024x32xf32, #tpu.memory_space<vmem>>
    %dma_wait3A_112 = arith.constant 0 : i32
    %dma_wait3A_113 = tpu.memref_slice %arg5[%mul3A_4, %dma_wait3A_112] : memref<1048576x32xf32, #tpu.memory_space<hbm>> -> memref<1024x32xf32, #tpu.memory_space<hbm>>
    %dma_wait3A_114 = tpu.memref_slice %arg11[%dma_wait3A_107] : memref<2x!tpu.dma_semaphore, #tpu.memory_space<semaphore_mem>> -> memref<1x!tpu.dma_semaphore, #tpu.memory_space<semaphore_mem>>
    %dma_wait3A_115 = tpu.memref_squeeze %dma_wait3A_114 : memref<1x!tpu.dma_semaphore, #tpu.memory_space<semaphore_mem>> -> memref<!tpu.dma_semaphore, #tpu.memory_space<semaphore_mem>>
    %dma_wait3A_116 = arith.constant 0 : i32
    %dma_wait3A_117 = tpu.memref_slice %arg5[%mul3A_4, %dma_wait3A_116] : memref<1048576x32xf32, #tpu.memory_space<hbm>> -> memref<1024x32xf32, #tpu.memory_space<hbm>>
    %dma_wait3A_118 = arith.constant 0 : i32
    %dma_wait3A_119 = arith.constant 0 : i32
    %dma_wait3A_120 = tpu.memref_slice %arg9[%dma_wait3A_106, %dma_wait3A_118, %dma_wait3A_119] : memref<2x1024x32xf32, #tpu.memory_space<vmem>> -> memref<1x1024x32xf32, #tpu.memory_space<vmem>>
    %dma_wait3A_121 = tpu.memref_squeeze %dma_wait3A_120 : memref<1x1024x32xf32, #tpu.memory_space<vmem>> -> memref<1024x32xf32, #tpu.memory_space<vmem>>
    tpu.wait_dma2 semaphore(%dma_wait3A_115 : memref<!tpu.dma_semaphore, #tpu.memory_space<semaphore_mem>>) src(%dma_wait3A_121 : memref<1024x32xf32, #tpu.memory_space<vmem>>) dst(%dma_wait3A_117 : memref<1024x32xf32, #tpu.memory_space<hbm>>)
    return
  }
}

module attributes {stable_mosaic.version = 14 : i64} {
  func.func @_ext_body(%arg0: i32, %arg1: memref<262144xf32, #tpu.memory_space<vmem>>, %arg2: memref<262144xf32, #tpu.memory_space<vmem>>) attributes {dimension_semantics = [#tpu.dimension_semantics<arbitrary>], iteration_bounds = array<i64: 132>, scalar_prefetch = 0 : i64, scratch_operands = 0 : i64, tpu.core_type = #tpu.core_type<tc>, window_params = [{transform_indices = @transform_0, window_bounds = array<i64: 262144>}, {transform_indices = @transform_1, window_bounds = array<i64: 262144>}]} {
    %lt3A = arith.constant 128 : i32
    %lt3A_0 = arith.cmpi slt, %arg0, %lt3A : i32
    %get3A = arith.constant 0 : index
    %get3A_1 = vector.load %arg1[%get3A] : memref<262144xf32, #tpu.memory_space<vmem>>, vector<262144xf32>
    %jit3A = arith.constant 0.000000e+00 : f32
    %broadcast_in_dim3A = vector.broadcast %jit3A : f32 to vector<262144xf32>
    %select_n3A = arith.select %lt3A_0, %get3A_1, %broadcast_in_dim3A : vector<262144xf32>
    %swap3A = arith.constant 0 : index
    %swap3A_2 = vector.load %arg2[%swap3A] : memref<262144xf32, #tpu.memory_space<vmem>>, vector<262144xf32>
    tpu.vector_store %arg2[%swap3A], %select_n3A {strides = array<i32>} : memref<262144xf32, #tpu.memory_space<vmem>>, vector<262144xf32>,
    return
  }
  func.func @transform_0(%arg0: i32) -> i32 {
    %min3A = arith.constant 127 : i32
    %min3A_0 = arith.minsi %arg0, %min3A : i32
    %c0_i32 = arith.constant 0 : i32
    return %min3A_0 : i32
  }
  func.func @transform_1(%arg0: i32) -> i32 {
    %c0_i32 = arith.constant 0 : i32
    return %arg0 : i32
  }
}

</mosaic_0001>

<sc_bundles>
// kernel: kernel.12.cloned.1.call-start
scs
__scs_entry_jumppad:
0x0: {  	(pc) =	sbr.rel $0x88, $3  }
0x1: {  	(tag) =	ssettag $0x0;
	lr =	simm.s32 $0x1  }
0x2: {  	[smem:$0x3F9E] =	sst lr;
	_ =	strace $0xD0000000  }
0x3: {  	_ = 	snop  }
0x4: {  	_ = 	snop  }
0x5: {  	_ = 	snop  }
0x6: {  	_ = 	snop  }
0x7: {  	_ = 	snop  }
__scs_overlays_trampoline_lowered:
0x8: {  	[smem:$0x3FAD] =	sst s0  }
0x9: {  	[smem:$0x3FAE] =	sst s1  }
0xa: {  	[smem:$0x3FAF] =	sst s2  }
0xb: {  	[smem:$0x3FB0] =	sst s3  }
0xc: {  	[smem:$0x3FB1] =	sst s4  }
0xd: {  	[smem:$0x3FB2] =	sst s5  }
0xe: {  	[smem:$0x3FB3] =	sst s6  }
0xf: {  	[smem:$0x3FB4] =	sst s7  }
0x10: {  	[smem:$0x3FB5] =	sst s8  }
0x11: {  	[smem:$0x3FB6] =	sst s9;
	s0 =	simm.s32 @!p0 $0x0  }
0x12: {  	s1 =	sld [smem:$0x3F9C];
	s0 =	simm.s32 @p0 $0x1  }
0x13: {  	[smem:$0x3FB7] =	sst s0;
	s0 =	simm.s32 @!p1 $0x0  }
0x14: {  	s2 =	sld [smem:$0x3F9B];
	s0 =	simm.s32 @p1 $0x1  }
0x15: {  	[smem:$0x3FB8] =	sst s0;
	s0 =	simm.s32 @!p2 $0x0  }
0x16: {  	s3 =	sld [smem:$0x3FDB];
	s0 =	simm.s32 @p2 $0x1  }
0x17: {  	s4 =	simm.s32 $0x1BF5;
	[smem:$0x3FBA] =	sst s0  }
0x18: {  	s0 =	sld [smem:$0x3F9D];
	_ =	swait.ge [sflag:s4], $0x0  }
0x19: {  	s7 =	sld [smem:$0x3F9E]  }
0x1a: {  	s8 =	sadd.s32 $0xFFFFE003, lr  }
0x1b: {  	s9 =	sadd.s32 $0xFFFFFEF7, lr;
	s5 =	simm.s32 $0xFFFFFFFF;
	p2 =	slt.u32 s8, $0xFFFFF086  }
0x1c: {  	p1 =	slt.u32 s9, $0xF7A;
	s5 =	simm.s32 @!p2 $0x0  }
0x1d: {  	s5 =	simm.s32 @p1 $0x1;
	p0 =	seq.s32 s7, s2  }
0x1e: {  	s7 =	smul.u32 @!p0 $0xF7A, s2;
	p2 =	seq.s32 @!p0 s5, $0x0  }
0x1f: {  	s9 =	smul.u32 $0xF7A, s1;
	s8 =	simm.s32 @!p0 $0x1BF5;
	p2 =	por !p2, p0  }
0x20: {  	[sflag:s8] =	ssyncset.s32 @!p0 $0xFFFFF086;
	s6 =	sadd.s32 @!p0 s3, s7;
	s7 =	simm.s32 @!p0 $0x108  }
0x21: {  	s3 =	sadd.s32 s3, s9;
	s6 =	sadd.s32 @!p0 $0x88, s6;
	s7 =	simm.s32 @p2 $0x1082  }
0x22: {  	[simem:s7], [sflag:s8] =	dma.local @!p0 [hbm:s6], $0xF7A  }
0x23: {  	s9 =	sor.u32 $0xD0000000, s2;
	s6 =	simm.s32 $0x108;
	_ =	swait.ge @!p0 [sflag:s8], $0x0  }
0x24: {  	s3 =	sadd.s32 $0x88, s3;
	s6 =	simm.s32 @!p1 $0x1082;
	[sflag:s4] =	ssyncset.s32 $0xFFFFF086  }
0x25: {  	[simem:s6], [sflag:s4] =	dma.local [hbm:s3], $0xF7A  }
0x26: {  	[smem:$0x3F9E] =	sst s1;
	(tag) =	ssettag s2;
	_ =	strace s9  }
0x27: {  	s1 =	sld [smem:$0x3FAE]  }
0x28: {  	s2 =	sld [smem:$0x3FAF]  }
0x29: {  	s4 =	sld [smem:$0x3FB1]  }
0x2a: {  	p0 =	seq.s32 s5, $0x0;
	s5 =	sld [smem:$0x3FB2]  }
0x2b: {  	s6 =	sld [smem:$0x3FB3]  }
0x2c: {  	s7 =	sld [smem:$0x3FB4]  }
0x2d: {  	s3 =	simm.s32 $0x108;
	s8 =	sld [smem:$0x3FB5]  }
0x2e: {  	s3 =	simm.s32 @!p0 $0x1082;
	s9 =	sld [smem:$0x3FB6]  }
0x2f: {  	lr =	sadd.s32 s0, s3;
	s0 =	sld [smem:$0x3FAD]  }
0x30: {  	s3 =	sld [smem:$0x3FB0]  }
0x31: {  	[smem:$0x3FB9] =	sst s10  }
0x32: {  	s10 =	sld [smem:$0x3FB7];
	_ =	sdelay $0x3  }
0x33: {  	p0 =	seq.s32 s10, $0x1;
	s10 =	sld [smem:$0x3FB9];
	_ =	sdelay $0x3  }
0x34: {  	[smem:$0x3FB9] =	sst s10  }
0x35: {  	s10 =	sld [smem:$0x3FB8];
	_ =	sdelay $0x3  }
0x36: {  	p1 =	seq.s32 s10, $0x1;
	s10 =	sld [smem:$0x3FB9];
	_ =	sdelay $0x3  }
0x37: {  	[smem:$0x3FB9] =	sst s10  }
0x38: {  	s10 =	sld [smem:$0x3FBA]  }
0x39: {  	_ = 	snop;
	(pc) =	sbr.ind lr, $3  }
0x3a: {  	_ = 	snop  }
0x3b: {  	_ = 	snop  }
0x3c: {  	p2 =	seq.s32 s10, $0x1;
	s10 =	sld [smem:$0x3FB9]  }
0x3d: {  	_ =	shalt  }
0x3e: {  	_ =	shalt  }
0x3f: {  	_ =	shalt  }
0x40: {  	_ =	shalt  }
0x41: {  	_ =	shalt  }
0x42: {  	_ =	shalt  }
0x43: {  	_ =	shalt  }
0x44: {  	_ =	shalt  }
0x45: {  	_ =	shalt  }
0x46: {  	_ =	shalt  }
0x47: {  	_ =	shalt  }
0x48: {  	_ =	shalt  }
0x49: {  	_ =	shalt  }
0x4a: {  	_ =	shalt  }
0x4b: {  	_ =	shalt  }
0x4c: {  	_ =	shalt  }
0x4d: {  	_ =	shalt  }
0x4e: {  	_ =	shalt  }
0x4f: {  	_ =	shalt  }
0x50: {  	_ =	shalt  }
0x51: {  	_ =	shalt  }
0x52: {  	_ =	shalt  }
0x53: {  	_ =	shalt  }
0x54: {  	_ =	shalt  }
0x55: {  	_ =	shalt  }
0x56: {  	_ =	shalt  }
0x57: {  	_ =	shalt  }
0x58: {  	_ =	shalt  }
0x59: {  	_ =	shalt  }
0x5a: {  	_ =	shalt  }
0x5b: {  	_ =	shalt  }
0x5c: {  	_ =	shalt  }
0x5d: {  	_ =	shalt  }
0x5e: {  	_ =	shalt  }
0x5f: {  	_ =	shalt  }
0x60: {  	_ =	shalt  }
0x61: {  	_ =	shalt  }
0x62: {  	_ =	shalt  }
0x63: {  	_ =	shalt  }
0x64: {  	_ =	shalt  }
0x65: {  	_ =	shalt  }
0x66: {  	_ =	shalt  }
0x67: {  	_ =	shalt  }
0x68: {  	_ =	shalt  }
0x69: {  	_ =	shalt  }
0x6a: {  	_ =	shalt  }
0x6b: {  	_ =	shalt  }
0x6c: {  	_ =	shalt  }
0x6d: {  	_ =	shalt  }
0x6e: {  	_ =	shalt  }
0x6f: {  	_ =	shalt  }
0x70: {  	_ =	shalt  }
0x71: {  	_ =	shalt  }
0x72: {  	_ =	shalt  }
0x73: {  	_ =	shalt  }
0x74: {  	_ =	shalt  }
0x75: {  	_ =	shalt  }
0x76: {  	_ =	shalt  }
0x77: {  	_ =	shalt  }
0x78: {  	_ =	shalt  }
0x79: {  	_ =	shalt  }
0x7a: {  	_ =	shalt  }
0x7b: {  	_ =	shalt  }
0x7c: {  	_ =	shalt  }
0x7d: {  	_ =	shalt  }
0x7e: {  	_ =	shalt  }
0x7f: {  	_ =	shalt  }
0x80: {  	_ =	shalt  }
0x81: {  	_ =	shalt  }
0x82: {  	_ =	shalt  }
0x83: {  	_ =	shalt  }
0x84: {  	_ =	shalt  }
0x85: {  	_ =	shalt  }
0x86: {  	_ =	shalt  }
0x87: {  	_ =	shalt  }
.Lfunc_end0:
.L_simem_size_0:
called_computation.3_lowered:
.L_overlay_start_0:
0x88: {  	s2 =	sld [smem:$0x3FD9]  }
0x89: {  	s3 =	sld [smem:$0x3FFE];
	_ =	sdelay $0x1  }
0x8a: {  	s1 =	srdreg.scid  }
0x8b: {  	s0 =	sand.u32 $0x1, s1  }
0x8c: {  	s17 =	sshll.u32 s0, $0xA;
	s2 =	sadd.s32 s3, s2  }
0x8d: {  	s2 =	sadd.s32 s2, s17  }
0x8e: {  	[smem:$0x3FC5] =	sst s2  }
0x8f: {  	_ = 	snop  }
0x90: {  	s2 =	sld [smem:$0x3FC7]  }
0x91: {  	s18 =	sld [smem:$0x3FD0];
	(tm) =	ssettm $0x1  }
0x92: {  	s4 =	sld [smem:$0x3FFB];
	_ =	sdelay $0x3  }
0x93: {  	_ =	strace s4  }
0x94: {  	s4 =	sld [smem:$0x3FFC];
	_ =	sdelay $0x3  }
0x95: {  	_ =	strace s4  }
0x96: {  	s4 =	sld [smem:$0x3FFD];
	_ =	sdelay $0x3  }
0x97: {  	_ =	strace s4  }
0x98: {  	_ =	strace $0x8FFFFFFF  }
0x99: {  	s19 =	sld [smem:$0x3FDB];
	_ =	sdelay $0x1  }
0x9a: {  	s5 =	simm.s32 $_scs_section_size  }
0x9b: {  	s6 =	simm.s32 $_size__tile_overlayer_lowered;
	s7 =	simm.s32 $_tile_overlayer_lowered  }
0x9c: {  	s22 =	simm.s32 $0x1BFF;
	s21 =	sshll.u32 s7, $0x1;
	s4 =	sadd.s32 s5, s19  }
0x9d: {  	s8 =	simm.s32 $0x0;
	s20 =	sshll.u32 s6, $0x1;
	s6 =	sadd.s32 s21, s4  }
0x9e: {  	[timem:s8], [sflag:s22] =	dma.local [hbm:s6], s20  }
0x9f: {  	_ =	swait.ge [sflag:s22], s20  }
0xa0: {  	s5 =	ssub.s32 $0x0, s20;
	[sflag:s22] =	ssyncset.done $0x0  }
0xa1: {  	[sflag:s22] =	ssyncadd.s32 s5;
	_ =	sdelay $0x1  }
0xa2: {  	s23 =	simm.s32 $0x1B8B  }
0xa3: {  	_ =	swait.ge [sflag:s23], $0x1  }
0xa4: {  	[sflag:s23] =	ssyncset.done $0x0  }
0xa5: {  	s25 =	simm.s32 $0x1B8E;
	s24 =	sld [smem:$0x3FFE];
	[sflag:s23] =	ssyncadd.s32 $0xFFFFFFFF  }
0xa6: {  	s26 =	simm.s32 $execute0_lowered;
	[smem:$0x3FD2] =	sst s25  }
0xa7: {  	s6 =	sshll.u32 s26, $0x1;
	_ =	strace $0x8000004C;
	[dreg:$0x1] =	wrdreg $0xFFFFFFFF  }
0xa8: {  	s28 =	simm.s32 $_size_execute0_lowered;
	s4 =	sadd.s32 s4, s6;
	[dreg:$0x0] =	wrdreg $0x0  }
0xa9: {  	s6 =	sshll.u32 s28, $0x1;
	[dreg:$0x2] =	wrdreg s4  }
0xaa: {  	[dreg:$0x3] =	wrdreg s6  }
0xab: {  	[dreg:$0x4] =	wrdreg $0xC0  }
0xac: {  	_ =	task [dreg:s8], $0x5FFFF  }
0xad: {  	[dreg:$0x1] =	wrdreg $0xFFFFFFFF  }
0xae: {  	[dreg:$0x0] =	wrdreg $0x60  }
0xaf: {  	[dreg:$0x2] =	wrdreg s2  }
0xb0: {  	[dreg:$0x3] =	wrdreg s24  }
0xb1: {  	[dreg:$0x4] =	wrdreg s18  }
0xb2: {  	[dreg:$0x5] =	wrdreg $0x9  }
0xb3: {  	_ =	task.clear_ibuf [dreg:s8], $0x6FFFF;
	_ =	strace $0x9000004C  }
0xb4: {  	s29 =	simm.s32 $0x9;
	_ =	strace $0x8000004E  }
0xb5: {  	_ =	swait.ge [sflag:s29], $0x1  }
0xb6: {  	[sflag:s29] =	ssyncadd.s32 $0xFFFFFFFF  }
0xb7: {  	_ =	strace $0x9000004E  }
0xb8: {  	_ =	sfence  }
0xb9: {  	s30 =	sld [smem:$0x0];
	_ =	sdelay $0x2  }
0xba: {  	s31 =	sshll.u32 s1, $0xD;
	s1 =	sshrl.u32 s1, $0x2  }
0xbb: {  	s3 =	sand.u32 $0x4000, s31;
	s1 =	sadd.s32 s1, s30  }
0xbc: {  	s0 =	sor.u32 s3, s0;
	s1 =	sshll.u32 s1, $0x11  }
0xbd: {  	s0 =	sor.u32 s1, s0  }
0xbe: {  	s0 =	sadd.s32 $0x8F2B, s0  }
0xbf: {  	[sflag:s0] =	ssyncadd.remote.s32 $0x1  }
0xc0: {  	_ =	sfence.sel $0xFFFF  }
0xc1: {  	[dreg:$0x0] =	wrdreg $0xFFFFFFFF;
	(pc) =	sbr.abs _section_cstart, $3  }
0xc2: {  	[dreg:$0x1] =	wrdreg $0xFFFFFFFF  }
0xc3: {  	_ =	task.clear_ibuf [dreg:s8], $0x2FFFF;
	_ =	strace $0x9FFFFFFF  }
0xc4: {  	(tm) =	ssettm $0x7FFFFFFF  }
0xc5: {  	_ =	shalt  }
tec
execute0_lowered:
.L_overlay_start_1:
0x0: {  	(tag) =	ssettag $0x1  }
0x1: {  	s1 =	rddreg [dreg:$0x0]  }
0x2: {  	s0 =	rddreg [dreg:$0x1]  }
0x3: {  	s2 =	rddreg [dreg:$0x2]  }
0x4: {  	s4 =	simm.s32 $0x0;
	s3 =	srdreg.scid;
	s5 =	stileid.u32  }
0x5: {  	s16 =	simm.s32 $0x5;
	s17 =	simm.s32 $0x400;
	s18 =	simm.s32 $0x800  }
0x6: {  	s19 =	simm.s32 $0x1000;
	s20 =	simm.s32 $0x1800;
	s21 =	simm.s32 $0xC00  }
0x7: {  	s22 =	simm.s32 $0x1400;
	s23 =	simm.s32 $0x9800;
	s28 =	simm.s32 $0x4  }
0x8: {  	s29 =	simm.s32 $0x0;
	s30 =	simm.s32 $0x0;
	[smem:$0x7FF] =	sst s4  }
0x9: {  	s3 =	sand.u32 $0x1, s3;
	s6 =	sshll.u32 s5, $0x10;
	s5 =	sadd.s32 $0x61600, s0  }
0xa: {  	_ =	strace $0x8000004D;
	s7 =	sshll.u32 s3, $0xF;
	s3 =	ssub.s32 $0x2, s3  }
0xb: {  	s6 =	sor.u32 s7, s6;
	s7 =	sadd.s32 $0xE1600, s0;
	s24 =	sshrl.u32 s3, $0x1  }
0xc: {  	s8 =	sor.u32 $0x400, s6;
	s0 =	ssub.s32 s3, s24;
	s25 =	sshrl.u32 s6, $0x3  }
0xd: {  	s31 =	sshll.u32 s6, $0x2;
	[dreg:$0x4] =	wrdreg s8;
	s3 =	sadd.s32 s1, s25  }
0xe: {  	s9 =	sshrl.u32 s8, $0x3;
	s0 =	smax.u32 s0, $0x1;
	[dreg:$0x5] =	wrdreg s3  }
0xf: {  	s11 =	sor.u32 $0x800, s6;
	s26 =	sadd.s32 s1, s9;
	[dreg:$0x9] =	wrdreg s0  }
0x10: {  	s13 =	sor.u32 $0xC00, s6;
	s3 =	sadd.s32 s2, s31;
	[dreg:$0x6] =	wrdreg s26  }
0x11: {  	s24 =	simm.s32 $0x1;
	[dreg:$0x7] =	wrdreg s3;
	s3 =	sadd.s32 $0x1F000, s3  }
0x12: {  	v0 =	vlaneseq.u32;
	s25 =	simm.s32 $0x3;
	s26 =	simm.s32 $0x2;
	[dreg:$0x8] =	wrdreg s3  }
.LBB2_1:
0x13: {  	s0 =	rddreg [dreg:$0x5]  }
0x14: {  	[tilespmem:s4], [sflag:$0x5] =	stream.linear.gather [hbm4b:s0+s4], $0x400, $0x38;
	[tilespmem:$0x11800] =	vst v63  }
0x15: {  	_ =	swait.ge [sflag:s16], $0x400  }
0x16: {  	[sflag:s16] =	ssyncset.done $0x0  }
0x17: {  	[sflag:s16] =	ssyncadd.s32 $0xFFFFFC00  }
0x18: {  	[tilespmem:s18], [sflag:$0x5] =	stream.indirect.gather [hbm4b:s5+s17], $0x1, s4, s17, $0xb8;
	[tilespmem:$0x11800] =	vst v63  }
0x19: {  	_ =	swait.ge [sflag:s16], $0x400  }
0x1a: {  	[sflag:s16] =	ssyncset.done $0x0  }
0x1b: {  	s3 =	simm.s32 $0x0;
	[sflag:s16] =	ssyncadd.s32 $0xFFFFFC00  }
0x1c: {  	v1 =	vld [tilespmem:s3+$0x800];
	_ =	sdelay $0x2  }
0x1d: {  	v2 =	vor.u32 s6, v0  }
0x1e: {  	s9 =	simm.s32 $0x40;
	s10 =	smov.u32 s6;
	v2 =	vand.u32 $0x3FF, v2  }
.LBB2_2:
0x1f: {  	s0 =	sshra.s32 s9, $0x2;
	p0 =	sne.s32 s9, $0xFC0;
	s9 =	sadd.s32 $0x40, s9;
	vm0 =	vgt.s32 v1, $0x0;
	v3 =	vadd.s32 $0xFFFFFFFF, v1;
	v2 =	vor.u32 $0x100000, v2  }
.Ltmp0:
0x20: {  	v1 =	vld [tilespmem:s0+$0x800];
	v2 =	vsel vm0, v3, v2;
	(pc) =	sbr.rel @p0 .LBB2_2-.Ltmp0, $4  }
0x21: {  	[tilespmem:s3+$0x1000] =	vst v2;
	s3 =	smov.u32 s0  }
0x22: {  	s10 =	sadd.s32 $0x10, s10  }
0x23: {  	v2 =	vor.u32 s10, v0  }
0x24: {  	v2 =	vand.u32 $0x3FF, v2  }
0x25: {  	vm0 =	vgt.s32 v1, $0x0;
	v1 =	vadd.s32 $0xFFFFFFFF, v1;
	v2 =	vor.u32 $0x100000, v2  }
0x26: {  	v1 =	vsel vm0, v1, v2  }
0x27: {  	[tilespmem:s3+$0x1000] =	vst v1  }
0x28: {  	[tilespmem:s20], [sflag:$0x1] =	stream.indirect.gather [hbm4b:s7+s17], $0x20, s19, s17, $0xb8;
	[tilespmem:$0x11800] =	vst v63  }
0x29: {  	s0 =	simm.s32 $0x0;
	s31 =	rddreg [dreg:$0x6]  }
0x2a: {  	[tilespmem:s17], [sflag:$0x5] =	stream.linear.gather [hbm4b:s31+s0], $0x400, $0x38;
	[tilespmem:$0x11800] =	vst v63  }
0x2b: {  	_ =	swait.ge [sflag:s16], $0x400  }
0x2c: {  	[sflag:s16] =	ssyncset.done $0x0  }
0x2d: {  	[sflag:s16] =	ssyncadd.s32 $0xFFFFFC00  }
0x2e: {  	[tilespmem:s21], [sflag:$0x5] =	stream.indirect.gather [hbm4b:s5+s17], $0x1, s17, s17, $0xb8;
	[tilespmem:$0x11800] =	vst v63  }
0x2f: {  	_ =	swait.ge [sflag:s16], $0x400  }
0x30: {  	[sflag:s16] =	ssyncset.done $0x0  }
0x31: {  	s3 =	simm.s32 $0x0;
	[sflag:s16] =	ssyncadd.s32 $0xFFFFFC00  }
0x32: {  	v1 =	vld [tilespmem:s3+$0xC00];
	_ =	sdelay $0x1  }
0x33: {  	s10 =	rddreg [dreg:$0x4]  }
0x34: {  	v2 =	vor.u32 s10, v0  }
0x35: {  	s9 =	simm.s32 $0x40;
	v2 =	vand.u32 $0x7FFF, v2  }
.LBB2_4:
0x36: {  	s0 =	sshra.s32 s9, $0x2;
	p0 =	sne.s32 s9, $0xFC0;
	s9 =	sadd.s32 $0x40, s9;
	vm0 =	vgt.s32 v1, $0x0;
	v3 =	vadd.s32 $0xFFFFFFFF, v1;
	v2 =	vor.u32 $0x100000, v2  }
.Ltmp1:
0x37: {  	v1 =	vld [tilespmem:s0+$0xC00];
	v2 =	vsel vm0, v3, v2;
	(pc) =	sbr.rel @p0 .LBB2_4-.Ltmp1, $4  }
0x38: {  	[tilespmem:s3+$0x1400] =	vst v2;
	s3 =	smov.u32 s0  }
0x39: {  	s10 =	sadd.s32 $0x10, s10  }
0x3a: {  	v2 =	vor.u32 s10, v0  }
0x3b: {  	v2 =	vand.u32 $0x7FFF, v2  }
0x3c: {  	vm0 =	vgt.s32 v1, $0x0;
	v1 =	vadd.s32 $0xFFFFFFFF, v1;
	v2 =	vor.u32 $0x100000, v2  }
0x3d: {  	v1 =	vsel vm0, v1, v2  }
0x3e: {  	[tilespmem:s3+$0x1400] =	vst v1  }
0x3f: {  	[tilespmem:s23], [sflag:$0x2] =	stream.indirect.gather [hbm4b:s7+s17], $0x20, s22, s17, $0xb8;
	[tilespmem:$0x11800] =	vst v63  }
0x40: {  	_ =	swait.ge [sflag:s24], $0x8000  }
0x41: {  	[sflag:s24] =	ssyncset.done $0x0  }
0x42: {  	s0 =	rddreg [dreg:$0x7];
	[sflag:s24] =	ssyncadd.s32 $0xFFFF8000  }
0x43: {  	[hbm4b:s0+s30] =	stream.linear.scatter [tilespmem:s20], [sflag:$0x3], $0x8000, $0x38;
	[tilespmem:$0x11800] =	vst v63  }
0x44: {  	s31 =	smov.u32 s13;
	s3 =	simm.s32 $0x0;
	s0 =	smov.u32 s11  }
.LBB2_6:
0x45: {  	s9 =	sshll.u32 s3, $0xB  }
0x46: {  	s10 =	sadd.s32 s9, s11  }
0x47: {  	s12 =	sshrl.u32 s10, $0x3  }
0x48: {  	s12 =	sadd.s32 s1, s12  }
0x49: {  	[tilespmem:s30], [sflag:$0x5] =	stream.linear.gather [hbm4b:s12+s30], $0x400, $0x38;
	[tilespmem:$0x11800] =	vst v63  }
0x4a: {  	_ =	swait.ge [sflag:s16], $0x400  }
0x4b: {  	[sflag:s16] =	ssyncset.done $0x0  }
0x4c: {  	[sflag:s16] =	ssyncadd.s32 $0xFFFFFC00  }
0x4d: {  	[tilespmem:s18], [sflag:$0x5] =	stream.indirect.gather [hbm4b:s5+s17], $0x1, s30, s17, $0xb8;
	[tilespmem:$0x11800] =	vst v63  }
0x4e: {  	_ =	swait.ge [sflag:s16], $0x400  }
0x4f: {  	[sflag:s16] =	ssyncset.done $0x0  }
0x50: {  	s14 =	simm.s32 $0x0;
	[sflag:s16] =	ssyncadd.s32 $0xFFFFFC00  }
0x51: {  	v1 =	vld [tilespmem:s14+$0x800];
	_ =	sdelay $0x2  }
0x52: {  	v2 =	vor.u32 s0, v0  }
0x53: {  	s15 =	simm.s32 $0x40;
	v2 =	vand.u32 $0x7FFF, v2;
	s12 =	smov.u32 s0  }
.LBB2_7:
0x54: {  	s8 =	sshra.s32 s15, $0x2;
	p0 =	sne.s32 s15, $0xFC0;
	s15 =	sadd.s32 $0x40, s15;
	vm0 =	vgt.s32 v1, $0x0;
	v3 =	vadd.s32 $0xFFFFFFFF, v1;
	v2 =	vor.u32 $0x100000, v2  }
.Ltmp2:
0x55: {  	v1 =	vld [tilespmem:s8+$0x800];
	v2 =	vsel vm0, v3, v2;
	(pc) =	sbr.rel @p0 .LBB2_7-.Ltmp2, $4  }
0x56: {  	[tilespmem:s14+$0x1000] =	vst v2;
	s14 =	smov.u32 s8  }
0x57: {  	s12 =	sadd.s32 $0x10, s12  }
0x58: {  	v2 =	vor.u32 s12, v0  }
0x59: {  	v2 =	vand.u32 $0x7FFF, v2  }
0x5a: {  	vm0 =	vgt.s32 v1, $0x0;
	v1 =	vadd.s32 $0xFFFFFFFF, v1;
	v2 =	vor.u32 $0x100000, v2  }
0x5b: {  	v1 =	vsel vm0, v1, v2  }
0x5c: {  	[tilespmem:s14+$0x1000] =	vst v1  }
0x5d: {  	_ =	swait.ge [sflag:s25], $0x8000  }
0x5e: {  	[sflag:s25] =	ssyncset.done $0x0  }
0x5f: {  	s8 =	sshll.u32 s10, $0x5;
	[sflag:s25] =	ssyncadd.s32 $0xFFFF8000  }
0x60: {  	[tilespmem:s20], [sflag:$0x1] =	stream.indirect.gather [hbm4b:s7+s17], $0x20, s19, s17, $0xb8;
	[tilespmem:$0x11800] =	vst v63  }
0x61: {  	s9 =	sadd.s32 s9, s13;
	s8 =	sadd.s32 $0xFFFF8000, s8;
	_ =	swait.ge [sflag:s26], $0x8000  }
0x62: {  	s15 =	sshrl.u32 s9, $0x3;
	s8 =	sshrl.u32 s8, $0x3;
	[sflag:s26] =	ssyncset.done $0x0  }
0x63: {  	s14 =	simm.s32 $0x0;
	s8 =	sadd.s32 s2, s8;
	[sflag:s26] =	ssyncadd.s32 $0xFFFF8000  }
0x64: {  	[hbm4b:s8+s14] =	stream.linear.scatter [tilespmem:s23], [sflag:$0x4], $0x8000, $0x38;
	[tilespmem:$0x11800] =	vst v63  }
0x65: {  	s8 =	sadd.s32 s1, s15  }
0x66: {  	[tilespmem:s17], [sflag:$0x5] =	stream.linear.gather [hbm4b:s8+s14], $0x400, $0x38;
	[tilespmem:$0x11800] =	vst v63  }
0x67: {  	_ =	swait.ge [sflag:s16], $0x400  }
0x68: {  	[sflag:s16] =	ssyncset.done $0x0  }
0x69: {  	[sflag:s16] =	ssyncadd.s32 $0xFFFFFC00  }
0x6a: {  	[tilespmem:s21], [sflag:$0x5] =	stream.indirect.gather [hbm4b:s5+s17], $0x1, s17, s17, $0xb8;
	[tilespmem:$0x11800] =	vst v63  }
0x6b: {  	_ =	swait.ge [sflag:s16], $0x400  }
0x6c: {  	[sflag:s16] =	ssyncset.done $0x0  }
0x6d: {  	s10 =	simm.s32 $0x0;
	[sflag:s16] =	ssyncadd.s32 $0xFFFFFC00  }
0x6e: {  	v1 =	vld [tilespmem:s10+$0xC00];
	_ =	sdelay $0x2  }
0x6f: {  	v2 =	vor.u32 s31, v0  }
0x70: {  	s12 =	smov.u32 s31;
	v2 =	vand.u32 $0x7FFF, v2;
	s14 =	simm.s32 $0x40  }
.LBB2_9:
0x71: {  	s8 =	sshra.s32 s14, $0x2;
	p0 =	sne.s32 s14, $0xFC0;
	s14 =	sadd.s32 $0x40, s14;
	vm0 =	vgt.s32 v1, $0x0;
	v3 =	vadd.s32 $0xFFFFFFFF, v1;
	v2 =	vor.u32 $0x100000, v2  }
.Ltmp3:
0x72: {  	v1 =	vld [tilespmem:s8+$0xC00];
	v2 =	vsel vm0, v3, v2;
	(pc) =	sbr.rel @p0 .LBB2_9-.Ltmp3, $4  }
0x73: {  	[tilespmem:s10+$0x1400] =	vst v2;
	s10 =	smov.u32 s8  }
0x74: {  	s12 =	sadd.s32 $0x10, s12  }
0x75: {  	v2 =	vor.u32 s12, v0  }
0x76: {  	v2 =	vand.u32 $0x7FFF, v2  }
0x77: {  	vm0 =	vgt.s32 v1, $0x0;
	v1 =	vadd.s32 $0xFFFFFFFF, v1;
	v2 =	vor.u32 $0x100000, v2  }
0x78: {  	v1 =	vsel vm0, v1, v2  }
0x79: {  	[tilespmem:s10+$0x1400] =	vst v1  }
0x7a: {  	_ =	swait.ge [sflag:s28], $0x8000  }
0x7b: {  	s3 =	sadd.s32 $0x1, s3;
	[sflag:s28] =	ssyncset.done $0x0  }
0x7c: {  	p0 =	sne.s32 s3, $0xF;
	[sflag:s28] =	ssyncadd.s32 $0xFFFF8000  }
0x7d: {  	[tilespmem:s23], [sflag:$0x2] =	stream.indirect.gather [hbm4b:s7+s17], $0x20, s22, s17, $0xb8;
	[tilespmem:$0x11800] =	vst v63  }
.Ltmp4:
0x7e: {  	s8 =	sshll.u32 s9, $0x5;
	(pc) =	sbr.rel @p0 .LBB2_6-.Ltmp4, $4  }
0x7f: {  	s8 =	sadd.s32 $0xFFFF8000, s8;
	_ =	swait.ge [sflag:s24], $0x8000  }
0x80: {  	s0 =	sadd.s32 $0x800, s0;
	s8 =	sshrl.u32 s8, $0x3;
	[sflag:s24] =	ssyncset.done $0x0  }
0x81: {  	s31 =	sadd.s32 $0x800, s31;
	s8 =	sadd.s32 s2, s8;
	[sflag:s24] =	ssyncadd.s32 $0xFFFF8000  }
0x82: {  	[hbm4b:s8+s4] =	stream.linear.scatter [tilespmem:s20], [sflag:$0x3], $0x8000, $0x38;
	[tilespmem:$0x11800] =	vst v63  }
0x83: {  	_ =	swait.ge [sflag:s26], $0x8000  }
0x84: {  	[sflag:s26] =	ssyncset.done $0x0  }
0x85: {  	s0 =	rddreg [dreg:$0x8];
	[sflag:s26] =	ssyncadd.s32 $0xFFFF8000  }
0x86: {  	[hbm4b:s0+s4] =	stream.linear.scatter [tilespmem:s23], [sflag:$0x5], $0x8000, $0x38;
	[tilespmem:$0x11800] =	vst v63  }
0x87: {  	_ =	swait.ge [sflag:s16], $0x8000  }
0x88: {  	[sflag:s16] =	ssyncset.done $0x0  }
0x89: {  	[sflag:s16] =	ssyncadd.s32 $0xFFFF8000  }
0x8a: {  	_ =	swait.ge [sflag:s25], $0x8000  }
0x8b: {  	s29 =	sadd.s32 $0x1, s29;
	s31 =	rddreg [dreg:$0x9]  }
0x8c: {  	p0 =	sne.s32 s29, s31  }
.Ltmp5:
0x8d: {  	_ = 	snop;
	(pc) =	sbr.rel @p0 .LBB2_1-.Ltmp5, $3  }
0x8e: {  	_ =	sdelay $0x1  }
0x8f: {  	[sflag:s25] =	ssyncset.done $0x0  }
0x90: {  	[sflag:s25] =	ssyncadd.s32 $0xFFFF8000  }
0x91: {  	_ =	sfence.sel $0x180000  }
0x92: {  	[bflag:$0x0] =	sbarrier.arrive $0xFFFF  }
0x93: {  	_ =	strace $0x9000004D  }
0x94: {  	s0 =	stileid.u32;
	[bflag:$0x2] =	sbarrier.arrive $0xFFFF  }
0x95: {  	p0 =	sne.s32 s0, $0x0;
	s0 =	rddreg [dreg:$0x3]  }
0x96: {  	s0 =	sadd.s32 @!p0 $0x100000, s0  }
0x97: {  	[sflag:s0] =	ssyncadd.tile.s32 @!p0 $0x1;
	_ =	shalt  }
.Lfunc_end2:
_tile_overlayer_lowered:
.L_overlay_start_2:
0x98: {  	(tag) =	ssettag $0x2  }
0x99: {  	s0 =	rddreg [dreg:$0x0];
	s2 =	stileid.u32  }
0x9a: {  	s1 =	rddreg [dreg:$0x1];
	p0 =	sne.s32 s2, $0x0  }
0x9b: {  	s3 =	rddreg [dreg:$0x2];
	[bflag:$0x3] =	sbarrier.arrive $0xFFFF;
	s2 =	simm.s32 @!p0 $0x1C05  }
0x9c: {  	[timem:s3], [sflag:s2] =	dma.local @!p0 [hbm:s0], s1  }
0x9d: {  	s0 =	simm.s32 @!p0 $0x5  }
0x9e: {  	_ =	swait.ge @!p0 [sflag:s0], s1  }
0x9f: {  	s1 =	ssub.s32 @!p0 $0x0, s1;
	[sflag:s0] =	ssyncset.done @!p0 $0x0  }
0xa0: {  	[sflag:s0] =	ssyncadd.s32 @!p0 s1  }
0xa1: {  	[bflag:$0x3] =	sbarrier.arrive $0xFFFF  }
0xa2: {  	_ =	shalt  }

// kernel: kernel.6.cloned.1.call-start
scs
__scs_entry_jumppad:
0x0: {  	(pc) =	sbr.rel $0x88, $3  }
0x1: {  	(tag) =	ssettag $0x0;
	lr =	simm.s32 $0x1  }
0x2: {  	[smem:$0x3F9E] =	sst lr;
	_ =	strace $0xD0000000  }
0x3: {  	_ = 	snop  }
0x4: {  	_ = 	snop  }
0x5: {  	_ = 	snop  }
0x6: {  	_ = 	snop  }
0x7: {  	_ = 	snop  }
__scs_overlays_trampoline_lowered:
0x8: {  	[smem:$0x3FAD] =	sst s0  }
0x9: {  	[smem:$0x3FAE] =	sst s1  }
0xa: {  	[smem:$0x3FAF] =	sst s2  }
0xb: {  	[smem:$0x3FB0] =	sst s3  }
0xc: {  	[smem:$0x3FB1] =	sst s4  }
0xd: {  	[smem:$0x3FB2] =	sst s5  }
0xe: {  	[smem:$0x3FB3] =	sst s6  }
0xf: {  	[smem:$0x3FB4] =	sst s7  }
0x10: {  	[smem:$0x3FB5] =	sst s8  }
0x11: {  	[smem:$0x3FB6] =	sst s9;
	s0 =	simm.s32 @!p0 $0x0  }
0x12: {  	s1 =	sld [smem:$0x3F9C];
	s0 =	simm.s32 @p0 $0x1  }
0x13: {  	[smem:$0x3FB7] =	sst s0;
	s0 =	simm.s32 @!p1 $0x0  }
0x14: {  	s2 =	sld [smem:$0x3F9B];
	s0 =	simm.s32 @p1 $0x1  }
0x15: {  	[smem:$0x3FB8] =	sst s0;
	s0 =	simm.s32 @!p2 $0x0  }
0x16: {  	s3 =	sld [smem:$0x3FDB];
	s0 =	simm.s32 @p2 $0x1  }
0x17: {  	s4 =	simm.s32 $0x1BF5;
	[smem:$0x3FBA] =	sst s0  }
0x18: {  	s0 =	sld [smem:$0x3F9D];
	_ =	swait.ge [sflag:s4], $0x0  }
0x19: {  	s7 =	sld [smem:$0x3F9E]  }
0x1a: {  	s8 =	sadd.s32 $0xFFFFE003, lr  }
0x1b: {  	s9 =	sadd.s32 $0xFFFFFEF7, lr;
	s5 =	simm.s32 $0xFFFFFFFF;
	p2 =	slt.u32 s8, $0xFFFFF086  }
0x1c: {  	p1 =	slt.u32 s9, $0xF7A;
	s5 =	simm.s32 @!p2 $0x0  }
0x1d: {  	s5 =	simm.s32 @p1 $0x1;
	p0 =	seq.s32 s7, s2  }
0x1e: {  	s7 =	smul.u32 @!p0 $0xF7A, s2;
	p2 =	seq.s32 @!p0 s5, $0x0  }
0x1f: {  	s9 =	smul.u32 $0xF7A, s1;
	s8 =	simm.s32 @!p0 $0x1BF5;
	p2 =	por !p2, p0  }
0x20: {  	[sflag:s8] =	ssyncset.s32 @!p0 $0xFFFFF086;
	s6 =	sadd.s32 @!p0 s3, s7;
	s7 =	simm.s32 @!p0 $0x108  }
0x21: {  	s3 =	sadd.s32 s3, s9;
	s6 =	sadd.s32 @!p0 $0x88, s6;
	s7 =	simm.s32 @p2 $0x1082  }
0x22: {  	[simem:s7], [sflag:s8] =	dma.local @!p0 [hbm:s6], $0xF7A  }
0x23: {  	s9 =	sor.u32 $0xD0000000, s2;
	s6 =	simm.s32 $0x108;
	_ =	swait.ge @!p0 [sflag:s8], $0x0  }
0x24: {  	s3 =	sadd.s32 $0x88, s3;
	s6 =	simm.s32 @!p1 $0x1082;
	[sflag:s4] =	ssyncset.s32 $0xFFFFF086  }
0x25: {  	[simem:s6], [sflag:s4] =	dma.local [hbm:s3], $0xF7A  }
0x26: {  	[smem:$0x3F9E] =	sst s1;
	(tag) =	ssettag s2;
	_ =	strace s9  }
0x27: {  	s1 =	sld [smem:$0x3FAE]  }
0x28: {  	s2 =	sld [smem:$0x3FAF]  }
0x29: {  	s4 =	sld [smem:$0x3FB1]  }
0x2a: {  	p0 =	seq.s32 s5, $0x0;
	s5 =	sld [smem:$0x3FB2]  }
0x2b: {  	s6 =	sld [smem:$0x3FB3]  }
0x2c: {  	s7 =	sld [smem:$0x3FB4]  }
0x2d: {  	s3 =	simm.s32 $0x108;
	s8 =	sld [smem:$0x3FB5]  }
0x2e: {  	s3 =	simm.s32 @!p0 $0x1082;
	s9 =	sld [smem:$0x3FB6]  }
0x2f: {  	lr =	sadd.s32 s0, s3;
	s0 =	sld [smem:$0x3FAD]  }
0x30: {  	s3 =	sld [smem:$0x3FB0]  }
0x31: {  	[smem:$0x3FB9] =	sst s10  }
0x32: {  	s10 =	sld [smem:$0x3FB7];
	_ =	sdelay $0x3  }
0x33: {  	p0 =	seq.s32 s10, $0x1;
	s10 =	sld [smem:$0x3FB9];
	_ =	sdelay $0x3  }
0x34: {  	[smem:$0x3FB9] =	sst s10  }
0x35: {  	s10 =	sld [smem:$0x3FB8];
	_ =	sdelay $0x3  }
0x36: {  	p1 =	seq.s32 s10, $0x1;
	s10 =	sld [smem:$0x3FB9];
	_ =	sdelay $0x3  }
0x37: {  	[smem:$0x3FB9] =	sst s10  }
0x38: {  	s10 =	sld [smem:$0x3FBA]  }
0x39: {  	_ = 	snop;
	(pc) =	sbr.ind lr, $3  }
0x3a: {  	_ = 	snop  }
0x3b: {  	_ = 	snop  }
0x3c: {  	p2 =	seq.s32 s10, $0x1;
	s10 =	sld [smem:$0x3FB9]  }
0x3d: {  	_ =	shalt  }
0x3e: {  	_ =	shalt  }
0x3f: {  	_ =	shalt  }
0x40: {  	_ =	shalt  }
0x41: {  	_ =	shalt  }
0x42: {  	_ =	shalt  }
0x43: {  	_ =	shalt  }
0x44: {  	_ =	shalt  }
0x45: {  	_ =	shalt  }
0x46: {  	_ =	shalt  }
0x47: {  	_ =	shalt  }
0x48: {  	_ =	shalt  }
0x49: {  	_ =	shalt  }
0x4a: {  	_ =	shalt  }
0x4b: {  	_ =	shalt  }
0x4c: {  	_ =	shalt  }
0x4d: {  	_ =	shalt  }
0x4e: {  	_ =	shalt  }
0x4f: {  	_ =	shalt  }
0x50: {  	_ =	shalt  }
0x51: {  	_ =	shalt  }
0x52: {  	_ =	shalt  }
0x53: {  	_ =	shalt  }
0x54: {  	_ =	shalt  }
0x55: {  	_ =	shalt  }
0x56: {  	_ =	shalt  }
0x57: {  	_ =	shalt  }
0x58: {  	_ =	shalt  }
0x59: {  	_ =	shalt  }
0x5a: {  	_ =	shalt  }
0x5b: {  	_ =	shalt  }
0x5c: {  	_ =	shalt  }
0x5d: {  	_ =	shalt  }
0x5e: {  	_ =	shalt  }
0x5f: {  	_ =	shalt  }
0x60: {  	_ =	shalt  }
0x61: {  	_ =	shalt  }
0x62: {  	_ =	shalt  }
0x63: {  	_ =	shalt  }
0x64: {  	_ =	shalt  }
0x65: {  	_ =	shalt  }
0x66: {  	_ =	shalt  }
0x67: {  	_ =	shalt  }
0x68: {  	_ =	shalt  }
0x69: {  	_ =	shalt  }
0x6a: {  	_ =	shalt  }
0x6b: {  	_ =	shalt  }
0x6c: {  	_ =	shalt  }
0x6d: {  	_ =	shalt  }
0x6e: {  	_ =	shalt  }
0x6f: {  	_ =	shalt  }
0x70: {  	_ =	shalt  }
0x71: {  	_ =	shalt  }
0x72: {  	_ =	shalt  }
0x73: {  	_ =	shalt  }
0x74: {  	_ =	shalt  }
0x75: {  	_ =	shalt  }
0x76: {  	_ =	shalt  }
0x77: {  	_ =	shalt  }
0x78: {  	_ =	shalt  }
0x79: {  	_ =	shalt  }
0x7a: {  	_ =	shalt  }
0x7b: {  	_ =	shalt  }
0x7c: {  	_ =	shalt  }
0x7d: {  	_ =	shalt  }
0x7e: {  	_ =	shalt  }
0x7f: {  	_ =	shalt  }
0x80: {  	_ =	shalt  }
0x81: {  	_ =	shalt  }
0x82: {  	_ =	shalt  }
0x83: {  	_ =	shalt  }
0x84: {  	_ =	shalt  }
0x85: {  	_ =	shalt  }
0x86: {  	_ =	shalt  }
0x87: {  	_ =	shalt  }
.Lfunc_end0:
.L_simem_size_0:
called_computation.1_lowered:
.L_overlay_start_0:
0x88: {  	s2 =	sld [smem:$0x3FD9]  }
0x89: {  	s3 =	sld [smem:$0x3FFE];
	_ =	sdelay $0x1  }
0x8a: {  	s1 =	srdreg.scid  }
0x8b: {  	s0 =	sand.u32 $0x1, s1  }
0x8c: {  	s17 =	sshll.u32 s0, $0xA;
	s2 =	sadd.s32 s3, s2  }
0x8d: {  	s2 =	sadd.s32 s2, s17  }
0x8e: {  	[smem:$0x3FC5] =	sst s2  }
0x8f: {  	_ = 	snop  }
0x90: {  	s2 =	sld [smem:$0x3FC8];
	(tm) =	ssettm $0x1  }
0x91: {  	s18 =	sld [smem:$0x3FFB];
	_ =	sdelay $0x3  }
0x92: {  	_ =	strace s18  }
0x93: {  	s3 =	sld [smem:$0x3FFC];
	_ =	sdelay $0x3  }
0x94: {  	_ =	strace s3  }
0x95: {  	s3 =	sld [smem:$0x3FFD];
	_ =	sdelay $0x3  }
0x96: {  	_ =	strace s3  }
0x97: {  	_ =	strace $0x8FFFFFFF  }
0x98: {  	s19 =	sld [smem:$0x3FDB];
	_ =	sdelay $0x1  }
0x99: {  	s4 =	simm.s32 $_scs_section_size  }
0x9a: {  	s5 =	simm.s32 $_size__tile_overlayer_lowered;
	s6 =	simm.s32 $_tile_overlayer_lowered  }
0x9b: {  	s22 =	simm.s32 $0x1BFF;
	s21 =	sshll.u32 s6, $0x1;
	s3 =	sadd.s32 s4, s19  }
0x9c: {  	s7 =	simm.s32 $0x0;
	s20 =	sshll.u32 s5, $0x1;
	s5 =	sadd.s32 s21, s3  }
0x9d: {  	[timem:s7], [sflag:s22] =	dma.local [hbm:s5], s20  }
0x9e: {  	_ =	swait.ge [sflag:s22], s20  }
0x9f: {  	s4 =	ssub.s32 $0x0, s20;
	[sflag:s22] =	ssyncset.done $0x0  }
0xa0: {  	[sflag:s22] =	ssyncadd.s32 s4;
	_ =	sdelay $0x1  }
0xa1: {  	s23 =	simm.s32 $0x1B8B  }
0xa2: {  	_ =	swait.ge [sflag:s23], $0x1  }
0xa3: {  	[sflag:s23] =	ssyncset.done $0x0  }
0xa4: {  	s25 =	simm.s32 $0x1B8E;
	s24 =	sld [smem:$0x3FFE];
	[sflag:s23] =	ssyncadd.s32 $0xFFFFFFFF  }
0xa5: {  	s26 =	simm.s32 $execute0_lowered;
	[smem:$0x3FD2] =	sst s25  }
0xa6: {  	s5 =	sshll.u32 s26, $0x1;
	_ =	strace $0x80000046;
	[dreg:$0x1] =	wrdreg $0xFFFFFFFF  }
0xa7: {  	s28 =	simm.s32 $_size_execute0_lowered;
	s3 =	sadd.s32 s3, s5;
	[dreg:$0x0] =	wrdreg $0x0  }
0xa8: {  	s5 =	sshll.u32 s28, $0x1;
	[dreg:$0x2] =	wrdreg s3  }
0xa9: {  	[dreg:$0x3] =	wrdreg s5  }
0xaa: {  	[dreg:$0x4] =	wrdreg $0xC0  }
0xab: {  	_ =	task [dreg:s7], $0x5FFFF  }
0xac: {  	[dreg:$0x1] =	wrdreg $0xFFFFFFFF  }
0xad: {  	[dreg:$0x0] =	wrdreg $0x60  }
0xae: {  	[dreg:$0x2] =	wrdreg s2  }
0xaf: {  	[dreg:$0x3] =	wrdreg s24  }
0xb0: {  	[dreg:$0x4] =	wrdreg $0x9  }
0xb1: {  	_ =	task.clear_ibuf [dreg:s7], $0x5FFFF;
	_ =	strace $0x90000046  }
0xb2: {  	s29 =	simm.s32 $0x9;
	_ =	strace $0x80000048  }
0xb3: {  	_ =	swait.ge [sflag:s29], $0x1  }
0xb4: {  	[sflag:s29] =	ssyncadd.s32 $0xFFFFFFFF  }
0xb5: {  	_ =	strace $0x90000048  }
0xb6: {  	_ =	sfence  }
0xb7: {  	s30 =	sld [smem:$0x0];
	_ =	sdelay $0x2  }
0xb8: {  	s31 =	sshll.u32 s1, $0xD;
	s1 =	sshrl.u32 s1, $0x2  }
0xb9: {  	s3 =	sand.u32 $0x4000, s31;
	s1 =	sadd.s32 s1, s30  }
0xba: {  	s0 =	sor.u32 s3, s0;
	s1 =	sshll.u32 s1, $0x11  }
0xbb: {  	s0 =	sor.u32 s1, s0  }
0xbc: {  	s0 =	sadd.s32 $0x8F2B, s0  }
0xbd: {  	[sflag:s0] =	ssyncadd.remote.s32 $0x1  }
0xbe: {  	_ =	sfence.sel $0xFFFF  }
0xbf: {  	[dreg:$0x0] =	wrdreg $0xFFFFFFFF;
	(pc) =	sbr.abs _section_cstart, $3  }
0xc0: {  	[dreg:$0x1] =	wrdreg $0xFFFFFFFF  }
0xc1: {  	_ =	task.clear_ibuf [dreg:s7], $0x2FFFF;
	_ =	strace $0x9FFFFFFF  }
0xc2: {  	(tm) =	ssettm $0x7FFFFFFF  }
0xc3: {  	_ =	shalt  }
tec
execute0_lowered:
.L_overlay_start_1:
0x0: {  	(tag) =	ssettag $0x1  }
0x1: {  	s6 =	rddreg [dreg:$0x0];
	s1 =	srdreg.scid  }
0x2: {  	s0 =	stileid.u32;
	s3 =	rddreg [dreg:$0x1]  }
0x3: {  	s2 =	simm.s32 $0x0;
	s12 =	simm.s32 $0x1C000;
	s13 =	simm.s32 $0x4000  }
0x4: {  	s14 =	simm.s32 $0x10000;
	s15 =	simm.s32 $0x300;
	s16 =	simm.s32 $0x6000  }
0x5: {  	s17 =	simm.s32 $0x0;
	s7 =	sand.u32 $0x1, s1;
	s1 =	rddreg [dreg:$0x2]  }
0x6: {  	s4 =	sshll.u32 s0, $0x1;
	[smem:$0x7FF] =	sst s2;
	s30 =	sshll.u32 s0, $0x10  }
0x7: {  	s8 =	sor.u32 s7, s4;
	_ =	strace $0x80000047;
	s5 =	ssub.s32 $0x2, s7  }
0x8: {  	s11 =	sshll.u32 s7, $0xF;
	s4 =	smul.u32 $0x60, s8;
	s9 =	sshll.u32 s8, $0x3  }
0x9: {  	s10 =	sshrl.u32 s5, $0x1;
	s8 =	sshll.u32 s8, $0xC;
	s31 =	sor.u32 s11, s30  }
0xa: {  	s11 =	simm.s32 $0x1;
	s9 =	sadd.s32 s9, s3;
	s10 =	ssub.s32 s5, s10  }
0xb: {  	s6 =	sadd.s32 s6, s8;
	s4 =	sadd.s32 s4, s3;
	s5 =	sadd.s32 $0x61400, s9  }
0xc: {  	s7 =	smax.u32 s10, $0x1;
	s8 =	sadd.s32 $0x800, s6;
	s9 =	sor.u32 $0x1, s31  }
0xd: {  	v0 =	vimm.s32 $0x0;
	v1 =	vlaneseq.u32;
	s10 =	sor.u32 $0x4001, s31;
	s3 =	sadd.s32 $0x1400, s4;
	s4 =	sadd.s32 $0x31400, s4  }
.LBB2_1:
0xe: {  	[tilespmem:$0x1C000] =	vst v0  }
0xf: {  	[tilespmem:$0x1C010] =	vst v0  }
0x10: {  	[tilespmem:$0x1C020] =	vst v0  }
0x11: {  	[tilespmem:$0x1C030] =	vst v0  }
0x12: {  	[tilespmem:s2], [sflag:$0x1] =	stream.linear.gather [hbm4b:s6+s2], $0x4000, $0x38;
	[tilespmem:$0x1C040] =	vst v63  }
0x13: {  	_ =	swait.ge [sflag:s11], $0x4000  }
0x14: {  	[sflag:s11] =	ssyncset.done $0x0  }
0x15: {  	s18 =	simm.s32 $0x0;
	[sflag:s11] =	ssyncadd.s32 $0xFFFFC000  }
0x16: {  	v2 =	vld [tilespmem:s18+$0x0];
	_ =	sdelay $0x4  }
0x17: {  	v3 =	vshrl.u32 v2, $0x10  }
0x18: {  	(xrf1) =	vunique.msk.u32 $0xffff, v3;
	_ =	sdelay $0x9  }
0x19: {  	v4 =	vld.idx.msk [tilespmem:v3+s12+$0x0], $0xffff;
	_ =	sdelay $0x3  }
0x1a: {  	_, v5, vm0 =	vpop (xrf1)  }
0x1b: {  	v4 =	vadd.s32 v4, v5  }
0x1c: {  	v6 =	vmul.u32 $0x300, v3;
	v5 =	vadd.s32 $0xFFFFFFFF, v4  }
0x1d: {  	v7 =	vand.u32 $0xFFFFFFF8, v5  }
0x1e: {  	vm1 =	vlt.s32 v5, $0x300;
	v5 =	vand.u32 $0x7, v5;
	v6 =	vadd.s32 v6, v7  }
0x1f: {  	v5 =	vor.u32 v5, v6;
	_ =	sdelay $0x4  }
0x20: {  	v63 =	vadd.s32 s9, v1;
	vm2 =	vlt.s32 v4, $0x300;
	[tilespmem:v5+s13+$0x0] =	vst.idx.msk vm1, v2  }
0x21: {  	v2 =	vnsel vm2, $0x300, v4;
	[tilespmem:v5+s14+$0x0] =	vst.idx.msk vm1, v63  }
0x22: {  	s31 =	simm.s32 $0x10;
	[tilespmem:v3+s12+$0x0] =	vst.idx.msk vm0, v2  }
0x23: {  	v2 =	vld [tilespmem:s31+$0x0]  }
0x24: {  	s19 =	simm.s32 $0x80;
	s18 =	smov.u32 s9  }
.LBB2_2:
0x25: {  	p0 =	sne.s32 s19, $0xFFC0;
	_ =	sdelay $0x2  }
0x26: {  	v3 =	vshrl.u32 v2, $0x10  }
0x27: {  	(xrf1) =	vunique.msk.u32 $0xffff, v3;
	_ =	sdelay $0x8  }
0x28: {  	v4 =	vld.idx.msk [tilespmem:v3+s12+$0x0], $0xffff;
	_ =	sdelay $0x4  }
0x29: {  	_, v5, vm0 =	vpop (xrf1)  }
0x2a: {  	v4 =	vadd.s32 v4, v5  }
0x2b: {  	v6 =	vmul.u32 $0x300, v3;
	v5 =	vadd.s32 $0xFFFFFFFF, v4  }
0x2c: {  	v7 =	vand.u32 $0xFFFFFFF8, v5  }
0x2d: {  	vm1 =	vlt.s32 v5, $0x300;
	v5 =	vand.u32 $0x7, v5;
	v6 =	vadd.s32 v6, v7  }
0x2e: {  	v5 =	vor.u32 v5, v6;
	_ =	sdelay $0x3  }
0x2f: {  	s18 =	sadd.s32 $0x10, s18  }
.Ltmp0:
0x30: {  	vm2 =	vlt.s32 v4, $0x300;
	v6 =	vadd.s32 s18, v1;
	[tilespmem:v5+s13+$0x0] =	vst.idx.msk vm1, v2;
	(pc) =	sbr.rel @p0 .LBB2_2-.Ltmp0, $4  }
0x31: {  	v2 =	vnsel vm2, $0x300, v4;
	[tilespmem:v5+s14+$0x0] =	vst.idx.msk vm1, v6  }
0x32: {  	s20 =	sshra.s32 s19, $0x2;
	[tilespmem:v3+s12+$0x0] =	vst.idx.msk vm0, v2  }
0x33: {  	v2 =	vld [tilespmem:s20+$0x0]  }
0x34: {  	s19 =	sadd.s32 $0x40, s19  }
0x35: {  	_ =	sdelay $0x2  }
0x36: {  	v3 =	vshrl.u32 v2, $0x10  }
0x37: {  	(xrf1) =	vunique.msk.u32 $0xffff, v3;
	_ =	sdelay $0x9  }
0x38: {  	v4 =	vld.idx.msk [tilespmem:v3+s12+$0x0], $0xffff;
	_ =	sdelay $0x3  }
0x39: {  	_, v5, vm0 =	vpop (xrf1)  }
0x3a: {  	v4 =	vadd.s32 v4, v5  }
0x3b: {  	v6 =	vmul.u32 $0x300, v3;
	v5 =	vadd.s32 $0xFFFFFFFF, v4  }
0x3c: {  	v7 =	vand.u32 $0xFFFFFFF8, v5  }
0x3d: {  	vm1 =	vlt.s32 v5, $0x300;
	v5 =	vand.u32 $0x7, v5;
	v6 =	vadd.s32 v6, v7  }
0x3e: {  	v5 =	vor.u32 v5, v6;
	_ =	sdelay $0x3  }
0x3f: {  	s18 =	sadd.s32 $0x10, s18  }
0x40: {  	v58 =	vadd.s32 s18, v1;
	vm2 =	vlt.s32 v4, $0x300;
	[tilespmem:v5+s13+$0x0] =	vst.idx.msk vm1, v2  }
0x41: {  	v2 =	vnsel vm2, $0x300, v4;
	[tilespmem:v5+s14+$0x0] =	vst.idx.msk vm1, v58  }
0x42: {  	s29 =	simm.s32 $0x0;
	[tilespmem:v3+s12+$0x0] =	vst.idx.msk vm0, v2  }
0x43: {  	[tilespmem:s29], [sflag:$0x1] =	stream.linear.gather [hbm4b:s8+s29], $0x4000, $0x38;
	[tilespmem:$0x1C040] =	vst v63  }
0x44: {  	_ =	swait.ge [sflag:s11], $0x4000  }
0x45: {  	[sflag:s11] =	ssyncset.done $0x0  }
0x46: {  	s30 =	simm.s32 $0x0;
	[sflag:s11] =	ssyncadd.s32 $0xFFFFC000  }
0x47: {  	v2 =	vld [tilespmem:s30+$0x0];
	_ =	sdelay $0x4  }
0x48: {  	v3 =	vshrl.u32 v2, $0x10  }
0x49: {  	(xrf1) =	vunique.msk.u32 $0xffff, v3;
	_ =	sdelay $0x9  }
0x4a: {  	v59 =	vld.idx.msk [tilespmem:v3+s12+$0x0], $0xffff;
	_ =	sdelay $0x3  }
0x4b: {  	_, v60, vm13 =	vpop (xrf1)  }
0x4c: {  	v4 =	vadd.s32 v59, v60  }
0x4d: {  	v61 =	vmul.u32 $0x300, v3;
	v5 =	vadd.s32 $0xFFFFFFFF, v4  }
0x4e: {  	v62 =	vand.u32 $0xFFFFFFF8, v5  }
0x4f: {  	vm14 =	vlt.s32 v5, $0x300;
	v5 =	vand.u32 $0x7, v5;
	v6 =	vadd.s32 v61, v62  }
0x50: {  	v5 =	vor.u32 v5, v6;
	_ =	sdelay $0x4  }
0x51: {  	v63 =	vadd.s32 s10, v1;
	vm15 =	vlt.s32 v4, $0x300;
	[tilespmem:v5+s13+$0x0] =	vst.idx.msk vm14, v2  }
0x52: {  	v2 =	vnsel vm15, $0x300, v4;
	[tilespmem:v5+s14+$0x0] =	vst.idx.msk vm14, v63  }
0x53: {  	s31 =	simm.s32 $0x10;
	[tilespmem:v3+s12+$0x0] =	vst.idx.msk vm13, v2  }
0x54: {  	v2 =	vld [tilespmem:s31+$0x0]  }
0x55: {  	s19 =	simm.s32 $0x80;
	s18 =	smov.u32 s10  }
.LBB2_4:
0x56: {  	p0 =	sne.s32 s19, $0xFFC0;
	_ =	sdelay $0x2  }
0x57: {  	v3 =	vshrl.u32 v2, $0x10  }
0x58: {  	(xrf1) =	vunique.msk.u32 $0xffff, v3;
	_ =	sdelay $0x8  }
0x59: {  	v4 =	vld.idx.msk [tilespmem:v3+s12+$0x0], $0xffff;
	_ =	sdelay $0x4  }
0x5a: {  	_, v5, vm0 =	vpop (xrf1)  }
0x5b: {  	v4 =	vadd.s32 v4, v5  }
0x5c: {  	v6 =	vmul.u32 $0x300, v3;
	v5 =	vadd.s32 $0xFFFFFFFF, v4  }
0x5d: {  	v7 =	vand.u32 $0xFFFFFFF8, v5  }
0x5e: {  	vm1 =	vlt.s32 v5, $0x300;
	v5 =	vand.u32 $0x7, v5;
	v6 =	vadd.s32 v6, v7  }
0x5f: {  	v5 =	vor.u32 v5, v6;
	_ =	sdelay $0x3  }
0x60: {  	s18 =	sadd.s32 $0x10, s18  }
.Ltmp1:
0x61: {  	vm2 =	vlt.s32 v4, $0x300;
	v6 =	vadd.s32 s18, v1;
	[tilespmem:v5+s13+$0x0] =	vst.idx.msk vm1, v2;
	(pc) =	sbr.rel @p0 .LBB2_4-.Ltmp1, $4  }
0x62: {  	v2 =	vnsel vm2, $0x300, v4;
	[tilespmem:v5+s14+$0x0] =	vst.idx.msk vm1, v6  }
0x63: {  	s20 =	sshra.s32 s19, $0x2;
	[tilespmem:v3+s12+$0x0] =	vst.idx.msk vm0, v2  }
0x64: {  	v2 =	vld [tilespmem:s20+$0x0]  }
0x65: {  	s19 =	sadd.s32 $0x40, s19  }
0x66: {  	_ =	sdelay $0x2  }
0x67: {  	v3 =	vshrl.u32 v2, $0x10  }
0x68: {  	(xrf1) =	vunique.msk.u32 $0xffff, v3;
	_ =	sdelay $0x9  }
0x69: {  	v4 =	vld.idx.msk [tilespmem:v3+s12+$0x0], $0xffff;
	_ =	sdelay $0x3  }
0x6a: {  	_, v5, vm0 =	vpop (xrf1)  }
0x6b: {  	v4 =	vadd.s32 v4, v5  }
0x6c: {  	v6 =	vmul.u32 $0x300, v3;
	v5 =	vadd.s32 $0xFFFFFFFF, v4  }
0x6d: {  	v7 =	vand.u32 $0xFFFFFFF8, v5  }
0x6e: {  	vm1 =	vlt.s32 v5, $0x300;
	v5 =	vand.u32 $0x7, v5;
	v6 =	vadd.s32 v6, v7  }
0x6f: {  	v5 =	vor.u32 v5, v6;
	_ =	sdelay $0x3  }
0x70: {  	s18 =	sadd.s32 $0x10, s18  }
0x71: {  	v63 =	vadd.s32 s18, v1;
	vm2 =	vlt.s32 v4, $0x300;
	[tilespmem:v5+s13+$0x0] =	vst.idx.msk vm1, v2  }
0x72: {  	v2 =	vnsel vm2, $0x300, v4;
	[tilespmem:v5+s14+$0x0] =	vst.idx.msk vm1, v63  }
0x73: {  	[tilespmem:v3+s12+$0x0] =	vst.idx.msk vm0, v2  }
0x74: {  	[hbm4b:s3+s15] =	stream.strided.scatter [tilespmem:s13], [sflag:$0x1], $0xC000, s16, s15, $0x38;
	[tilespmem:$0x1C040] =	vst v63  }
0x75: {  	_ =	swait.ge [sflag:s11], $0xC000  }
0x76: {  	[sflag:s11] =	ssyncset.done $0x0  }
0x77: {  	[sflag:s11] =	ssyncadd.s32 $0xFFFF4000  }
0x78: {  	[hbm4b:s4+s15] =	stream.strided.scatter [tilespmem:s14], [sflag:$0x1], $0xC000, s16, s15, $0x38;
	[tilespmem:$0x1C040] =	vst v63  }
0x79: {  	s17 =	sadd.s32 $0x1, s17;
	_ =	swait.ge [sflag:s11], $0xC000  }
0x7a: {  	p0 =	sne.s32 s17, s7;
	[sflag:s11] =	ssyncset.done $0x0  }
.Ltmp2:
0x7b: {  	[sflag:s11] =	ssyncadd.s32 $0xFFFF4000;
	(pc) =	sbr.rel @p0 .LBB2_1-.Ltmp2, $4  }
0x7c: {  	[hbm4b:s5+s2] =	stream.linear.scatter [tilespmem:s12], [sflag:$0x1], $0x40, $0x38;
	[tilespmem:$0x1C040] =	vst v63  }
0x7d: {  	_ =	swait.ge [sflag:s11], $0x40  }
0x7e: {  	[sflag:s11] =	ssyncset.done $0x0  }
0x7f: {  	[sflag:s11] =	ssyncadd.s32 $0xFFFFFFC0  }
0x80: {  	_ =	sfence.sel $0x180000  }
0x81: {  	[bflag:$0x0] =	sbarrier.arrive $0xFFFF  }
0x82: {  	p0 =	sne.s32 s0, $0x0;
	_ =	strace $0x90000047  }
0x83: {  	s0 =	sadd.s32 @!p0 $0x100000, s1;
	[bflag:$0x2] =	sbarrier.arrive $0xFFFF  }
0x84: {  	[sflag:s0] =	ssyncadd.tile.s32 @!p0 $0x1;
	_ =	shalt  }
.Lfunc_end2:
_tile_overlayer_lowered:
.L_overlay_start_2:
0x85: {  	(tag) =	ssettag $0x2  }
0x86: {  	s0 =	rddreg [dreg:$0x0];
	s2 =	stileid.u32  }
0x87: {  	s1 =	rddreg [dreg:$0x1];
	p0 =	sne.s32 s2, $0x0  }
0x88: {  	s3 =	rddreg [dreg:$0x2];
	[bflag:$0x3] =	sbarrier.arrive $0xFFFF;
	s2 =	simm.s32 @!p0 $0x1C01  }
0x89: {  	[timem:s3], [sflag:s2] =	dma.local @!p0 [hbm:s0], s1  }
0x8a: {  	s0 =	simm.s32 @!p0 $0x1  }
0x8b: {  	_ =	swait.ge @!p0 [sflag:s0], s1  }
0x8c: {  	s1 =	ssub.s32 @!p0 $0x0, s1;
	[sflag:s0] =	ssyncset.done @!p0 $0x0  }
0x8d: {  	[sflag:s0] =	ssyncadd.s32 @!p0 s1  }
0x8e: {  	[bflag:$0x3] =	sbarrier.arrive $0xFFFF  }
0x8f: {  	_ =	shalt  }

// kernel: kernel.9.cloned.1.call-start
scs
__scs_entry_jumppad:
0x0: {  	(pc) =	sbr.rel $0x88, $3  }
0x1: {  	(tag) =	ssettag $0x0;
	lr =	simm.s32 $0x1  }
0x2: {  	[smem:$0x3F9E] =	sst lr;
	_ =	strace $0xD0000000  }
0x3: {  	_ = 	snop  }
0x4: {  	_ = 	snop  }
0x5: {  	_ = 	snop  }
0x6: {  	_ = 	snop  }
0x7: {  	_ = 	snop  }
__scs_overlays_trampoline_lowered:
0x8: {  	[smem:$0x3FAD] =	sst s0  }
0x9: {  	[smem:$0x3FAE] =	sst s1  }
0xa: {  	[smem:$0x3FAF] =	sst s2  }
0xb: {  	[smem:$0x3FB0] =	sst s3  }
0xc: {  	[smem:$0x3FB1] =	sst s4  }
0xd: {  	[smem:$0x3FB2] =	sst s5  }
0xe: {  	[smem:$0x3FB3] =	sst s6  }
0xf: {  	[smem:$0x3FB4] =	sst s7  }
0x10: {  	[smem:$0x3FB5] =	sst s8  }
0x11: {  	[smem:$0x3FB6] =	sst s9;
	s0 =	simm.s32 @!p0 $0x0  }
0x12: {  	s1 =	sld [smem:$0x3F9C];
	s0 =	simm.s32 @p0 $0x1  }
0x13: {  	[smem:$0x3FB7] =	sst s0;
	s0 =	simm.s32 @!p1 $0x0  }
0x14: {  	s2 =	sld [smem:$0x3F9B];
	s0 =	simm.s32 @p1 $0x1  }
0x15: {  	[smem:$0x3FB8] =	sst s0;
	s0 =	simm.s32 @!p2 $0x0  }
0x16: {  	s3 =	sld [smem:$0x3FDB];
	s0 =	simm.s32 @p2 $0x1  }
0x17: {  	s4 =	simm.s32 $0x1BF5;
	[smem:$0x3FBA] =	sst s0  }
0x18: {  	s0 =	sld [smem:$0x3F9D];
	_ =	swait.ge [sflag:s4], $0x0  }
0x19: {  	s7 =	sld [smem:$0x3F9E]  }
0x1a: {  	s8 =	sadd.s32 $0xFFFFE003, lr  }
0x1b: {  	s9 =	sadd.s32 $0xFFFFFEF7, lr;
	s5 =	simm.s32 $0xFFFFFFFF;
	p2 =	slt.u32 s8, $0xFFFFF086  }
0x1c: {  	p1 =	slt.u32 s9, $0xF7A;
	s5 =	simm.s32 @!p2 $0x0  }
0x1d: {  	s5 =	simm.s32 @p1 $0x1;
	p0 =	seq.s32 s7, s2  }
0x1e: {  	s7 =	smul.u32 @!p0 $0xF7A, s2;
	p2 =	seq.s32 @!p0 s5, $0x0  }
0x1f: {  	s9 =	smul.u32 $0xF7A, s1;
	s8 =	simm.s32 @!p0 $0x1BF5;
	p2 =	por !p2, p0  }
0x20: {  	[sflag:s8] =	ssyncset.s32 @!p0 $0xFFFFF086;
	s6 =	sadd.s32 @!p0 s3, s7;
	s7 =	simm.s32 @!p0 $0x108  }
0x21: {  	s3 =	sadd.s32 s3, s9;
	s6 =	sadd.s32 @!p0 $0x88, s6;
	s7 =	simm.s32 @p2 $0x1082  }
0x22: {  	[simem:s7], [sflag:s8] =	dma.local @!p0 [hbm:s6], $0xF7A  }
0x23: {  	s9 =	sor.u32 $0xD0000000, s2;
	s6 =	simm.s32 $0x108;
	_ =	swait.ge @!p0 [sflag:s8], $0x0  }
0x24: {  	s3 =	sadd.s32 $0x88, s3;
	s6 =	simm.s32 @!p1 $0x1082;
	[sflag:s4] =	ssyncset.s32 $0xFFFFF086  }
0x25: {  	[simem:s6], [sflag:s4] =	dma.local [hbm:s3], $0xF7A  }
0x26: {  	[smem:$0x3F9E] =	sst s1;
	(tag) =	ssettag s2;
	_ =	strace s9  }
0x27: {  	s1 =	sld [smem:$0x3FAE]  }
0x28: {  	s2 =	sld [smem:$0x3FAF]  }
0x29: {  	s4 =	sld [smem:$0x3FB1]  }
0x2a: {  	p0 =	seq.s32 s5, $0x0;
	s5 =	sld [smem:$0x3FB2]  }
0x2b: {  	s6 =	sld [smem:$0x3FB3]  }
0x2c: {  	s7 =	sld [smem:$0x3FB4]  }
0x2d: {  	s3 =	simm.s32 $0x108;
	s8 =	sld [smem:$0x3FB5]  }
0x2e: {  	s3 =	simm.s32 @!p0 $0x1082;
	s9 =	sld [smem:$0x3FB6]  }
0x2f: {  	lr =	sadd.s32 s0, s3;
	s0 =	sld [smem:$0x3FAD]  }
0x30: {  	s3 =	sld [smem:$0x3FB0]  }
0x31: {  	[smem:$0x3FB9] =	sst s10  }
0x32: {  	s10 =	sld [smem:$0x3FB7];
	_ =	sdelay $0x3  }
0x33: {  	p0 =	seq.s32 s10, $0x1;
	s10 =	sld [smem:$0x3FB9];
	_ =	sdelay $0x3  }
0x34: {  	[smem:$0x3FB9] =	sst s10  }
0x35: {  	s10 =	sld [smem:$0x3FB8];
	_ =	sdelay $0x3  }
0x36: {  	p1 =	seq.s32 s10, $0x1;
	s10 =	sld [smem:$0x3FB9];
	_ =	sdelay $0x3  }
0x37: {  	[smem:$0x3FB9] =	sst s10  }
0x38: {  	s10 =	sld [smem:$0x3FBA]  }
0x39: {  	_ = 	snop;
	(pc) =	sbr.ind lr, $3  }
0x3a: {  	_ = 	snop  }
0x3b: {  	_ = 	snop  }
0x3c: {  	p2 =	seq.s32 s10, $0x1;
	s10 =	sld [smem:$0x3FB9]  }
0x3d: {  	_ =	shalt  }
0x3e: {  	_ =	shalt  }
0x3f: {  	_ =	shalt  }
0x40: {  	_ =	shalt  }
0x41: {  	_ =	shalt  }
0x42: {  	_ =	shalt  }
0x43: {  	_ =	shalt  }
0x44: {  	_ =	shalt  }
0x45: {  	_ =	shalt  }
0x46: {  	_ =	shalt  }
0x47: {  	_ =	shalt  }
0x48: {  	_ =	shalt  }
0x49: {  	_ =	shalt  }
0x4a: {  	_ =	shalt  }
0x4b: {  	_ =	shalt  }
0x4c: {  	_ =	shalt  }
0x4d: {  	_ =	shalt  }
0x4e: {  	_ =	shalt  }
0x4f: {  	_ =	shalt  }
0x50: {  	_ =	shalt  }
0x51: {  	_ =	shalt  }
0x52: {  	_ =	shalt  }
0x53: {  	_ =	shalt  }
0x54: {  	_ =	shalt  }
0x55: {  	_ =	shalt  }
0x56: {  	_ =	shalt  }
0x57: {  	_ =	shalt  }
0x58: {  	_ =	shalt  }
0x59: {  	_ =	shalt  }
0x5a: {  	_ =	shalt  }
0x5b: {  	_ =	shalt  }
0x5c: {  	_ =	shalt  }
0x5d: {  	_ =	shalt  }
0x5e: {  	_ =	shalt  }
0x5f: {  	_ =	shalt  }
0x60: {  	_ =	shalt  }
0x61: {  	_ =	shalt  }
0x62: {  	_ =	shalt  }
0x63: {  	_ =	shalt  }
0x64: {  	_ =	shalt  }
0x65: {  	_ =	shalt  }
0x66: {  	_ =	shalt  }
0x67: {  	_ =	shalt  }
0x68: {  	_ =	shalt  }
0x69: {  	_ =	shalt  }
0x6a: {  	_ =	shalt  }
0x6b: {  	_ =	shalt  }
0x6c: {  	_ =	shalt  }
0x6d: {  	_ =	shalt  }
0x6e: {  	_ =	shalt  }
0x6f: {  	_ =	shalt  }
0x70: {  	_ =	shalt  }
0x71: {  	_ =	shalt  }
0x72: {  	_ =	shalt  }
0x73: {  	_ =	shalt  }
0x74: {  	_ =	shalt  }
0x75: {  	_ =	shalt  }
0x76: {  	_ =	shalt  }
0x77: {  	_ =	shalt  }
0x78: {  	_ =	shalt  }
0x79: {  	_ =	shalt  }
0x7a: {  	_ =	shalt  }
0x7b: {  	_ =	shalt  }
0x7c: {  	_ =	shalt  }
0x7d: {  	_ =	shalt  }
0x7e: {  	_ =	shalt  }
0x7f: {  	_ =	shalt  }
0x80: {  	_ =	shalt  }
0x81: {  	_ =	shalt  }
0x82: {  	_ =	shalt  }
0x83: {  	_ =	shalt  }
0x84: {  	_ =	shalt  }
0x85: {  	_ =	shalt  }
0x86: {  	_ =	shalt  }
0x87: {  	_ =	shalt  }
.Lfunc_end0:
.L_simem_size_0:
called_computation.2_lowered:
.L_overlay_start_0:
0x88: {  	s2 =	sld [smem:$0x3FD9]  }
0x89: {  	s3 =	sld [smem:$0x3FFE];
	_ =	sdelay $0x1  }
0x8a: {  	s1 =	srdreg.scid  }
0x8b: {  	s0 =	sand.u32 $0x1, s1  }
0x8c: {  	s16 =	sshll.u32 s0, $0xA;
	s2 =	sadd.s32 s3, s2  }
0x8d: {  	s2 =	sadd.s32 s2, s16  }
0x8e: {  	[smem:$0x3FC5] =	sst s2  }
0x8f: {  	_ = 	snop  }
0x90: {  	(tm) =	ssettm $0x1  }
0x91: {  	s17 =	sld [smem:$0x3FFB];
	_ =	sdelay $0x3  }
0x92: {  	_ =	strace s17  }
0x93: {  	s2 =	sld [smem:$0x3FFC];
	_ =	sdelay $0x3  }
0x94: {  	_ =	strace s2  }
0x95: {  	s2 =	sld [smem:$0x3FFD];
	_ =	sdelay $0x3  }
0x96: {  	_ =	strace s2  }
0x97: {  	_ =	strace $0x8FFFFFFF  }
0x98: {  	s18 =	sld [smem:$0x3FDB];
	_ =	sdelay $0x1  }
0x99: {  	s19 =	simm.s32 $_scs_section_size  }
0x9a: {  	s4 =	simm.s32 $_size__tile_overlayer_lowered;
	s5 =	simm.s32 $_tile_overlayer_lowered  }
0x9b: {  	s22 =	simm.s32 $0x1BFF;
	s21 =	sshll.u32 s5, $0x1;
	s2 =	sadd.s32 s19, s18  }
0x9c: {  	s6 =	simm.s32 $0x0;
	s20 =	sshll.u32 s4, $0x1;
	s4 =	sadd.s32 s21, s2  }
0x9d: {  	[timem:s6], [sflag:s22] =	dma.local [hbm:s4], s20  }
0x9e: {  	_ =	swait.ge [sflag:s22], s20  }
0x9f: {  	s3 =	ssub.s32 $0x0, s20;
	[sflag:s22] =	ssyncset.done $0x0  }
0xa0: {  	[sflag:s22] =	ssyncadd.s32 s3;
	_ =	sdelay $0x1  }
0xa1: {  	s23 =	simm.s32 $0x1B8B  }
0xa2: {  	_ =	swait.ge [sflag:s23], $0x1  }
0xa3: {  	[sflag:s23] =	ssyncset.done $0x0  }
0xa4: {  	s25 =	simm.s32 $0x1B8E;
	s24 =	sld [smem:$0x3FFE];
	[sflag:s23] =	ssyncadd.s32 $0xFFFFFFFF  }
0xa5: {  	s26 =	simm.s32 $execute0_lowered;
	[smem:$0x3FD2] =	sst s25  }
0xa6: {  	s4 =	sshll.u32 s26, $0x1;
	_ =	strace $0x80000049;
	[dreg:$0x1] =	wrdreg $0xFFFFFFFF  }
0xa7: {  	s28 =	simm.s32 $_size_execute0_lowered;
	s2 =	sadd.s32 s2, s4;
	[dreg:$0x0] =	wrdreg $0x0  }
0xa8: {  	s4 =	sshll.u32 s28, $0x1;
	[dreg:$0x2] =	wrdreg s2  }
0xa9: {  	[dreg:$0x3] =	wrdreg s4  }
0xaa: {  	[dreg:$0x4] =	wrdreg $0xC0  }
0xab: {  	_ =	task [dreg:s6], $0x5FFFF  }
0xac: {  	[dreg:$0x1] =	wrdreg $0xFFFFFFFF  }
0xad: {  	[dreg:$0x0] =	wrdreg $0x60  }
0xae: {  	[dreg:$0x2] =	wrdreg s24  }
0xaf: {  	[dreg:$0x3] =	wrdreg $0x9  }
0xb0: {  	_ =	task.clear_ibuf [dreg:s6], $0x4FFFF;
	_ =	strace $0x90000049  }
0xb1: {  	s29 =	simm.s32 $0x9;
	_ =	strace $0x8000004B  }
0xb2: {  	_ =	swait.ge [sflag:s29], $0x1  }
0xb3: {  	[sflag:s29] =	ssyncadd.s32 $0xFFFFFFFF  }
0xb4: {  	_ =	strace $0x9000004B  }
0xb5: {  	_ =	sfence  }
0xb6: {  	s30 =	sld [smem:$0x0];
	_ =	sdelay $0x2  }
0xb7: {  	s31 =	sshll.u32 s1, $0xD;
	s1 =	sshrl.u32 s1, $0x2  }
0xb8: {  	s3 =	sand.u32 $0x4000, s31;
	s1 =	sadd.s32 s1, s30  }
0xb9: {  	s0 =	sor.u32 s3, s0;
	s1 =	sshll.u32 s1, $0x11  }
0xba: {  	s0 =	sor.u32 s1, s0  }
0xbb: {  	s0 =	sadd.s32 $0x8F2B, s0  }
0xbc: {  	[sflag:s0] =	ssyncadd.remote.s32 $0x1  }
0xbd: {  	_ =	sfence.sel $0xFFFF  }
0xbe: {  	[dreg:$0x0] =	wrdreg $0xFFFFFFFF;
	(pc) =	sbr.abs _section_cstart, $3  }
0xbf: {  	[dreg:$0x1] =	wrdreg $0xFFFFFFFF  }
0xc0: {  	_ =	task.clear_ibuf [dreg:s6], $0x2FFFF;
	_ =	strace $0x9FFFFFFF  }
0xc1: {  	(tm) =	ssettm $0x7FFFFFFF  }
tec
execute0_lowered:
.L_overlay_start_1:
0x0: {  	(tag) =	ssettag $0x1  }
0x1: {  	s3 =	rddreg [dreg:$0x0]  }
0x2: {  	s0 =	rddreg [dreg:$0x1];
	s1 =	simm.s32 $0x0  }
0x3: {  	s4 =	srdreg.scid;
	s10 =	simm.s32 $0x1;
	s11 =	simm.s32 $0xC800  }
0x4: {  	s12 =	simm.s32 $0x0;
	[smem:$0x7FF] =	sst s1;
	s2 =	sadd.s32 $0x1400, s3  }
.Ltmp0:
0x5: {  	s7 =	sand.u32 $0x1, s4;
	s4 =	sadd.s32 $0x31400, s3;
	(pc) =	sbr.rel .LBB2_1-.Ltmp0, $4  }
0x6: {  	s5 =	sadd.s32 $0x61400, s3;
	s6 =	sadd.s32 $0x61600, s3;
	s8 =	ssub.s32 $0x2, s7  }
0x7: {  	s3 =	stileid.u32;
	_ =	strace $0x8000004A;
	s9 =	sshrl.u32 s8, $0x1  }
0x8: {  	s31 =	sshll.u32 s3, $0x2;
	s7 =	sshll.u32 s7, $0x1;
	s8 =	ssub.s32 s8, s9  }
0x9: {  	v0 =	vimm.s32 $0x0;
	v1 =	vlaneseq.u32;
	s7 =	sor.u32 s7, s31;
	s9 =	simm.s32 $0xC000;
	s8 =	smax.u32 s8, $0x1  }
.LBB2_14:
0xa: {  	s12 =	sadd.s32 $0x1, s12  }
0xb: {  	p0 =	sne.s32 s12, s8  }
.Ltmp1:
0xc: {  	_ = 	snop;
	(pc) =	sbr.rel @!p0 .LBB2_15-.Ltmp1, $1  }
0xd: {  	_ =	sdelay $0x3  }
.LBB2_1:
.Ltmp2:
0xe: {  	(pc) =	sbr.rel .LBB2_2-.Ltmp2, $4  }
0xf: {  	[tilespmem:s9], [sflag:$0x1] =	stream.linear.gather [hbm4b:s5+s1], $0x800, $0x38;
	[tilespmem:$0x1C800] =	vst v63  }
0x10: {  	_ =	swait.ge [sflag:s10], $0x800  }
0x11: {  	[sflag:s10] =	ssyncset.done $0x0  }
0x12: {  	p1 =	por $0x1, $0x1;
	s13 =	simm.s32 $0x0;
	[sflag:s10] =	ssyncadd.s32 $0xFFFFF800  }
.LBB2_13:
0x13: {  	s13 =	sshll.u32 s13, $0xD  }
0x14: {  	s13 =	sadd.s32 s6, s13  }
0x15: {  	[hbm4b:s13+s1] =	stream.linear.scatter [tilespmem:s11], [sflag:$0x1], $0x10000, $0x38;
	[tilespmem:$0x1C800] =	vst v63  }
.Ltmp3:
0x16: {  	_ = 	snop;
	(pc) =	sbr.rel @!p0 .LBB2_14-.Ltmp3, $4  }
0x17: {  	s13 =	simm.s32 $0x1  }
0x18: {  	_ =	swait.ge [sflag:s13], $0x10000  }
0x19: {  	[sflag:s13] =	ssyncset.done $0x0  }
0x1a: {  	p1 =	por $0x0, $0x0;
	[sflag:s13] =	ssyncadd.s32 $0xFFFF0000  }
.LBB2_2:
0x1b: {  	p0 =	por p1, p1;
	s14 =	simm.s32 $0x40;
	s15 =	simm.s32 $0x0  }
.LBB2_3:
0x1c: {  	p1 =	sne.s32 s14, $0x3FFC0;
	[tilespmem:s15+$0xC800] =	vst v0;
	s15 =	smov.u32 s14;
	s14 =	sadd.s32 $0x40, s14  }
.Ltmp4:
0x1d: {  	(pc) =	sbr.rel @p1 .LBB2_3-.Ltmp4, $2  }
0x1e: {  	_ =	sdelay $0x2  }
0x1f: {  	s15 =	sshra.s32 s15, $0x2  }
0x20: {  	s13 =	sor.u32 s7, s13  }
0x21: {  	s16 =	smul.u32 $0xC00, s13;
	_ =	sdelay $0x1  }
0x22: {  	[tilespmem:s15+$0xC800] =	vst v0;
	s14 =	simm.s32 $0x0;
	s31 =	sadd.s32 s2, s16  }
0x23: {  	[tilespmem:s14], [sflag:$0x1] =	stream.linear.gather [hbm4b:s31+s14], $0x6000, $0x38;
	[tilespmem:$0x1C800] =	vst v63  }
0x24: {  	_ =	swait.ge [sflag:s10], $0x6000  }
0x25: {  	s15 =	simm.s32 $0x6000;
	[sflag:s10] =	ssyncset.done $0x0  }
.Ltmp5:
0x26: {  	s16 =	sadd.s32 s4, s16;
	[sflag:s10] =	ssyncadd.s32 $0xFFFFA000;
	(pc) =	sbr.rel .LBB2_5-.Ltmp5, $4  }
0x27: {  	[tilespmem:s15], [sflag:$0x1] =	stream.linear.gather [hbm4b:s16+s14], $0x6000, $0x38;
	[tilespmem:$0x1C800] =	vst v63  }
0x28: {  	_ =	swait.ge [sflag:s10], $0x6000  }
0x29: {  	[sflag:s10] =	ssyncset.done $0x0  }
0x2a: {  	s17 =	simm.s32 $0x0;
	s16 =	simm.s32 $0x0;
	[sflag:s10] =	ssyncadd.s32 $0xFFFFA000  }
.LBB2_7:
0x2b: {  	s19 =	simm.s32 $0x0;
	s18 =	smov.u32 s15  }
.LBB2_11:
0x2c: {  	s19 =	sadd.s32 @p1 $0x10, s19;
	s20 =	simm.s32 $0x0  }
0x2d: {  	s20 =	smov.u32 @p1 s19  }
0x2e: {  	v4 =	vor.u32 s20, v1  }
0x2f: {  	vm0 =	vlt.s32 v4, v2;
	v2 =	vand.u32 $0xFFFF, v3  }
0x30: {  	(xrf1) =	vunique.msk.u32 vm0, v2;
	_ =	sdelay $0xd  }
0x31: {  	s18 =	sadd.s32 @p1 $0x10, s18;
	s19 =	smov.u32 s15;
	_, v3, vm1 =	vpop (xrf1)  }
0x32: {  	s19 =	smov.u32 @p1 s18;
	vm0 =	vmand vm0, vm1  }
0x33: {  	v3 =	vld [tilespmem:s19+$0x0];
	_ =	sdelay $0x4  }
0x34: {  	[tilespmem:v2+s11+$0x0] =	vst.idx.msk vm0, v3  }
.LBB2_12:
0x35: {  	s17 =	sadd.s32 $0x1, s17  }
0x36: {  	p1 =	sne.s32 s17, $0x20  }
.Ltmp6:
0x37: {  	_ = 	snop;
	(pc) =	sbr.rel @!p1 .LBB2_13-.Ltmp6, $2  }
0x38: {  	_ =	sdelay $0x2  }
0x39: {  	s16 =	sadd.s32 $0x300, s16;
	s15 =	sadd.s32 $0x300, s15  }
.LBB2_5:
0x3a: {  	s18 =	sshll.u32 s17, $0x6  }
0x3b: {  	s18 =	sor.u32 s13, s18  }
0x3c: {  	v2 =	vmov s18;
	_ =	sdelay $0x4  }
0x3d: {  	v2 =	vld.idx.msk [tilespmem:v2+s9+$0x0], $0xffff;
	_ =	sdelay $0x4  }
0x3e: {  	v3 =	vxor.u32 $0x80000000, v2  }
0x3f: {  	(xrf0) =	vmax.scan.msk.u32 $0xffff, v3;
	_ =	sdelay $0x5  }
0x40: {  	v3, _, _ =	vpop (xrf0)  }
0x41: {  	(v2sf) =	vpush v3, $0xF;
	_ =	sdelay $0xe  }
0x42: {  	s31 =	spop (v2sf)  }
0x43: {  	s18 =	sadd.s32 $0x8000000F, s31  }
0x44: {  	s18 =	sshra.s32 s18, $0x4  }
0x45: {  	p1 =	slt.s32 s18, $0x1  }
.Ltmp7:
0x46: {  	_ = 	snop;
	(pc) =	sbr.rel @p1 .LBB2_12-.Ltmp7, $1  }
0x47: {  	_ =	sdelay $0x3  }
0x48: {  	p2 =	sne.s32 s18, $0x1  }
.Ltmp8:
0x49: {  	_ = 	snop;
	(pc) =	sbr.rel @!p2 .LBB2_7-.Ltmp8, $3  }
0x4a: {  	_ =	sdelay $0x1  }
0x4b: {  	v3 =	vld [tilespmem:s16+$0x0]  }
0x4c: {  	s18 =	sadd.s32 $0xFFFFFFFF, s18;
	p1 =	por $0x0, $0x0  }
0x4d: {  	_ =	sdelay $0x1  }
0x4e: {  	v4 =	vor.u32 s14, v1  }
0x4f: {  	vm0 =	vlt.s32 v4, v2;
	v3 =	vand.u32 $0xFFFF, v3  }
0x50: {  	(xrf1) =	vunique.msk.u32 vm0, v3;
	_ =	sdelay $0xd  }
0x51: {  	_, v4, vm1 =	vpop (xrf1)  }
0x52: {  	vm0 =	vmand vm0, vm1  }
0x53: {  	v4 =	vld [tilespmem:s15+$0x0];
	_ =	sdelay $0x1  }
0x54: {  	p2 =	sne.s32 s18, $0x1  }
.Ltmp9:
0x55: {  	_ = 	snop;
	(pc) =	sbr.rel @!p2 .LBB2_9-.Ltmp9, $4  }
0x56: {  	_ = 	snop  }
0x57: {  	s20 =	sadd.s32 $0x10, s16;
	[tilespmem:v3+s11+$0x0] =	vst.idx.msk vm0, v4  }
0x58: {  	s21 =	sadd.s32 $0xFFFFFFFF, s18;
	v3 =	vld [tilespmem:s20+$0x0]  }
0x59: {  	p1 =	por $0x1, $0x1;
	s19 =	simm.s32 $0x0;
	s18 =	smov.u32 s15  }
.LBB2_10:
0x5a: {  	p2 =	sne.s32 s21, $0x1;
	_ =	sdelay $0x1  }
0x5b: {  	s19 =	sadd.s32 $0x10, s19  }
0x5c: {  	v4 =	vor.u32 s19, v1  }
0x5d: {  	v3 =	vand.u32 $0xFFFF, v3;
	vm0 =	vlt.s32 v4, v2  }
0x5e: {  	(xrf1) =	vunique.msk.u32 vm0, v3;
	_ =	sdelay $0xd  }
0x5f: {  	_, v4, vm1 =	vpop (xrf1)  }
0x60: {  	s18 =	sadd.s32 $0x10, s18;
	vm0 =	vmand vm0, vm1  }
0x61: {  	v4 =	vld [tilespmem:s18+$0x0];
	_ =	sdelay $0x1  }
.Ltmp10:
0x62: {  	(pc) =	sbr.rel @p2 .LBB2_10-.Ltmp10, $3  }
0x63: {  	_ =	sdelay $0x1  }
0x64: {  	s20 =	sadd.s32 $0x10, s20;
	[tilespmem:v3+s11+$0x0] =	vst.idx.msk vm0, v4  }
0x65: {  	s21 =	sadd.s32 $0xFFFFFFFF, s21;
	v3 =	vld [tilespmem:s20+$0x0]  }
.Ltmp11:
0x66: {  	_ = 	snop;
	(pc) =	sbr.rel .LBB2_11-.Ltmp11, $1  }
0x67: {  	_ =	sdelay $0x3  }
.LBB2_9:
.Ltmp12:
0x68: {  	(pc) =	sbr.rel .LBB2_11-.Ltmp12, $2  }
0x69: {  	_ =	sdelay $0x2  }
0x6a: {  	s19 =	simm.s32 $0x0;
	s18 =	smov.u32 s15  }
.LBB2_15:
0x6b: {  	_ =	sfence.sel $0x180000  }
0x6c: {  	[bflag:$0x0] =	sbarrier.arrive $0xFFFF  }
0x6d: {  	p0 =	sne.s32 s3, $0x0;
	_ =	strace $0x9000004A  }
0x6e: {  	s0 =	sadd.s32 @!p0 $0x100000, s0;
	[bflag:$0x2] =	sbarrier.arrive $0xFFFF  }
0x6f: {  	[sflag:s0] =	ssyncadd.tile.s32 @!p0 $0x1;
	_ =	shalt  }
.Lfunc_end2:
_tile_overlayer_lowered:
.L_overlay_start_2:
0x70: {  	(tag) =	ssettag $0x2  }
0x71: {  	s0 =	rddreg [dreg:$0x0];
	s2 =	stileid.u32  }
0x72: {  	s1 =	rddreg [dreg:$0x1];
	p0 =	sne.s32 s2, $0x0  }
0x73: {  	s3 =	rddreg [dreg:$0x2];
	[bflag:$0x3] =	sbarrier.arrive $0xFFFF;
	s2 =	simm.s32 @!p0 $0x1C01  }
0x74: {  	[timem:s3], [sflag:s2] =	dma.local @!p0 [hbm:s0], s1  }
0x75: {  	s0 =	simm.s32 @!p0 $0x1  }
0x76: {  	_ =	swait.ge @!p0 [sflag:s0], s1  }
0x77: {  	s1 =	ssub.s32 @!p0 $0x0, s1;
	[sflag:s0] =	ssyncset.done @!p0 $0x0  }
0x78: {  	[sflag:s0] =	ssyncadd.s32 @!p0 s1  }
0x79: {  	[bflag:$0x3] =	sbarrier.arrive $0xFFFF  }
0x7a: {  	_ =	shalt  }

// kernel: sparse-core-data-format-call.cloned.1.call-start
scs
called_computation_lowered:
.L_overlay_start_0:
0x0: {  	s2 =	sld [smem:$0x3FD9]  }
0x1: {  	s3 =	sld [smem:$0x3FFE];
	_ =	sdelay $0x1  }
0x2: {  	s1 =	srdreg.scid  }
0x3: {  	s0 =	sand.u32 $0x1, s1  }
0x4: {  	s18 =	sshll.u32 s0, $0xA;
	s2 =	sadd.s32 s3, s2  }
0x5: {  	s2 =	sadd.s32 s2, s18  }
0x6: {  	[smem:$0x3FC5] =	sst s2  }
0x7: {  	_ = 	snop  }
0x8: {  	s2 =	sld [smem:$0x3FD0];
	(tm) =	ssettm $0x1  }
0x9: {  	s19 =	sld [smem:$0x3FFB];
	_ =	sdelay $0x3  }
0xa: {  	_ =	strace s19  }
0xb: {  	s3 =	sld [smem:$0x3FFC];
	_ =	sdelay $0x3  }
0xc: {  	_ =	strace s3  }
0xd: {  	s3 =	sld [smem:$0x3FFD];
	_ =	sdelay $0x3  }
0xe: {  	_ =	strace s3  }
0xf: {  	_ =	strace $0x8FFFFFFF  }
0x10: {  	s20 =	sld [smem:$0x3FDB];
	_ =	sdelay $0x1  }
0x11: {  	s4 =	simm.s32 $_scs_section_size  }
0x12: {  	s5 =	simm.s32 $_size__tile_overlayer_lowered;
	s6 =	simm.s32 $_tile_overlayer_lowered  }
0x13: {  	s23 =	simm.s32 $0x1BFF;
	s22 =	sshll.u32 s6, $0x1;
	s3 =	sadd.s32 s4, s20  }
0x14: {  	s7 =	simm.s32 $0x0;
	s21 =	sshll.u32 s5, $0x1;
	s5 =	sadd.s32 s22, s3  }
0x15: {  	[timem:s7], [sflag:s23] =	dma.local [hbm:s5], s21  }
0x16: {  	_ =	swait.ge [sflag:s23], s21  }
0x17: {  	s4 =	ssub.s32 $0x0, s21;
	[sflag:s23] =	ssyncset.done $0x0  }
0x18: {  	[sflag:s23] =	ssyncadd.s32 s4;
	_ =	sdelay $0x1  }
0x19: {  	s24 =	simm.s32 $0x1B8B  }
0x1a: {  	_ =	swait.ge [sflag:s24], $0x1  }
0x1b: {  	[sflag:s24] =	ssyncset.done $0x0  }
0x1c: {  	s26 =	simm.s32 $0x1B8E;
	s25 =	sld [smem:$0x3FFE];
	[sflag:s24] =	ssyncadd.s32 $0xFFFFFFFF  }
0x1d: {  	s27 =	simm.s32 $execute0_lowered;
	[smem:$0x3FD2] =	sst s26  }
0x1e: {  	s5 =	sshll.u32 s27, $0x1;
	_ =	strace $0x8000004F;
	[dreg:$0x1] =	wrdreg $0xFFFFFFFF  }
0x1f: {  	s28 =	simm.s32 $_size_execute0_lowered;
	s3 =	sadd.s32 s3, s5;
	[dreg:$0x0] =	wrdreg $0x0  }
0x20: {  	s5 =	sshll.u32 s28, $0x1;
	[dreg:$0x2] =	wrdreg s3  }
0x21: {  	[dreg:$0x3] =	wrdreg s5  }
0x22: {  	[dreg:$0x4] =	wrdreg $0xC0  }
0x23: {  	_ =	task [dreg:s7], $0x5FFFF  }
0x24: {  	[dreg:$0x1] =	wrdreg $0xFFFFFFFF  }
0x25: {  	[dreg:$0x0] =	wrdreg $0x60  }
0x26: {  	[dreg:$0x2] =	wrdreg s25  }
0x27: {  	[dreg:$0x3] =	wrdreg s2  }
0x28: {  	[dreg:$0x4] =	wrdreg $0x9  }
0x29: {  	_ =	task.clear_ibuf [dreg:s7], $0x5FFFF;
	_ =	strace $0x9000004F  }
0x2a: {  	s29 =	simm.s32 $0x9;
	_ =	strace $0x80000051  }
0x2b: {  	_ =	swait.ge [sflag:s29], $0x1  }
0x2c: {  	[sflag:s29] =	ssyncadd.s32 $0xFFFFFFFF  }
0x2d: {  	_ =	strace $0x90000051  }
0x2e: {  	_ =	sfence  }
0x2f: {  	s30 =	sld [smem:$0x0];
	_ =	sdelay $0x2  }
0x30: {  	s31 =	sshll.u32 s1, $0xD;
	s1 =	sshrl.u32 s1, $0x2  }
0x31: {  	s3 =	sand.u32 $0x4000, s31;
	s1 =	sadd.s32 s1, s30  }
0x32: {  	s0 =	sor.u32 s3, s0;
	s1 =	sshll.u32 s1, $0x11  }
0x33: {  	s0 =	sor.u32 s1, s0  }
0x34: {  	s0 =	sadd.s32 $0x8F2B, s0  }
0x35: {  	[sflag:s0] =	ssyncadd.remote.s32 $0x1  }
0x36: {  	_ =	sfence.sel $0xFFFF  }
0x37: {  	[dreg:$0x0] =	wrdreg $0xFFFFFFFF;
	(pc) =	sbr.abs _section_cstart, $3  }
0x38: {  	[dreg:$0x1] =	wrdreg $0xFFFFFFFF  }
0x39: {  	_ =	task.clear_ibuf [dreg:s7], $0x2FFFF;
	_ =	strace $0x9FFFFFFF  }
0x3a: {  	(tm) =	ssettm $0x7FFFFFFF  }
0x3b: {  	_ =	shalt  }
tec
execute0_lowered:
.L_overlay_start_1:
0x0: {  	(tag) =	ssettag $0x1  }
0x1: {  	s0 =	srdreg.scid  }
0x2: {  	s1 =	sshll.u32 s0, $0x4  }
0x3: {  	s4 =	rddreg [dreg:$0x0];
	s0 =	stileid.u32;
	s1 =	sand.u32 $0x10, s1  }
0x4: {  	s2 =	rddreg [dreg:$0x1];
	s7 =	simm.s32 $0x1;
	s1 =	sor.u32 s0, s1  }
0x5: {  	s8 =	simm.s32 $0x2;
	s11 =	simm.s32 $0x0;
	s3 =	sshll.u32 s1, $0x7  }
0x6: {  	s10 =	simm.s32 $0x0;
	s4 =	sadd.s32 $0x1400, s4;
	s6 =	ssub.s32 $0x100000, s3  }
.Ltmp0:
0x7: {  	s1 =	rddreg [dreg:$0x2];
	s5 =	sand.u32 $0xF80, s6;
	(pc) =	sbr.rel .LBB1_1-.Ltmp0, $4  }
0x8: {  	_ =	strace $0x80000050;
	s9 =	smov.u32 s3;
	p0 =	sne.s32 s5, $0x0  }
0x9: {  	s6 =	sshrl.u32 s6, $0xC;
	s5 =	simm.s32 $0x1;
	s7 =	simm.s32 @!p0 $0x0  }
0xa: {  	[sflag:s5] =	ssyncpa.u1 $0x0;
	p0 =	por $0x0, $0x0;
	s6 =	sadd.s32 s7, s6  }
0xb: {  	[sflag:s8] =	ssyncpa.u1 $0x0;
	s8 =	simm.s32 $0x800000;
	s7 =	sadd.s32 $0x1, s6  }
.LBB1_4:
0xc: {  	s13 =	sshll.u32 s11, $0x3  }
0xd: {  	s15 =	sand.u32 $0x78, s11;
	s13 =	sand.u32 $0xFFC00, s13  }
0xe: {  	s30 =	sand.u32 $0x3E0000, s11;
	s31 =	sand.u32 $0x7, s11;
	s13 =	sor.u32 s15, s13  }
0xf: {  	s11 =	sshll.u32 s31, $0x12;
	s15 =	sadd.s32 s2, s30;
	s13 =	sshrl.u32 s13, $0x3  }
0x10: {  	[tilespmem:s14+$0x0 ss:$0x81] =	vst.msk $0xffff, v0;
	s11 =	sor.u32 $0x400, s11;
	s13 =	sadd.s32 s13, s15  }
0x11: {  	[hbm4b:s13+s11] =	stream.strided.scatter [tilespmem:s12], [sflag:$0x2], $0x1000, s8, s11, $0x20;
	[tilespmem:$0x4040] =	vst v63  }
.LBB1_5:
0x12: {  	s13 =	sadd.s32 $0x1000, s9  }
0x13: {  	p2 =	sgt.s32 s13, $0xFFFFF  }
0x14: {  	s13 =	smov.u32 @p2 s3;
	p2 =	sne.s32 s10, s7  }
.Ltmp1:
0x15: {  	p1 =	slt.u32 s10, $0x2;
	(pc) =	sbr.rel @!p2 .LBB1_6-.Ltmp1, $4  }
0x16: {  	s12 =	simm.s32 @!p1 $0x2  }
0x17: {  	s14 =	sadd.s32 $0x1, s10;
	_ =	swait.ge @!p1 [sflag:s12], $0x1000  }
0x18: {  	s11 =	smov.u32 s9;
	p0 =	por !p0, !p0;
	[sflag:s12] =	ssyncset.done @!p1 $0x0  }
0x19: {  	s10 =	smov.u32 s14;
	s9 =	smov.u32 s13;
	[sflag:s12] =	ssyncadd.s32 @!p1 $0xFFFFF000  }
.LBB1_1:
0x1a: {  	p1 =	sge.u32 s10, s6  }
0x1b: {  	s31 =	sadd.s32 $0xFFFFFFFF, s10;
	s12 =	sxor.u32 @!p1 $0xFFFFFFFF, s10;
	s13 =	sshll.u32 @!p1 s9, $0x4  }
0x1c: {  	s14 =	simm.s32 @!p1 $0x20;
	s12 =	sshll.u32 @!p1 s12, $0xC;
	s13 =	sand.u32 @!p1 $0xFFFFF0, s13  }
0x1d: {  	s15 =	simm.s32 @!p1 $0x80;
	s12 =	sand.u32 @!p1 $0x1000, s12;
	s13 =	sadd.s32 @!p1 s4, s13  }
0x1e: {  	[tilespmem:s12], [sflag:$0x1] =	stream.strided.gather @!p1 [hbm4b:s13+s14], $0x1000, s15, s14, $0x38;
	[tilespmem:$0x4040] =	vst v63  }
0x1f: {  	p1 =	sge.u32 s31, s6  }
.Ltmp2:
0x20: {  	_ = 	snop;
	(pc) =	sbr.rel @p1 .LBB1_5-.Ltmp2, $1  }
0x21: {  	_ =	sdelay $0x3  }
0x22: {  	s12 =	simm.s32 $0x1  }
0x23: {  	_ =	swait.ge [sflag:s5], $0x1000;
	s12 =	simm.s32 @!p0 $0x0  }
0x24: {  	[sflag:s5] =	ssyncset.done $0x0;
	s13 =	sshll.u32 s12, $0xC  }
0x25: {  	[sflag:s5] =	ssyncadd.s32 $0xFFFFF000;
	s16 =	sor.u32 $0x10, s13  }
0x26: {  	s12 =	smul.u32 $0x4080, s12;
	v1 =	vld [tilespmem:s16+$0x0]  }
0x27: {  	s30 =	sand.u32 $0x1, s10;
	v0 =	vld [tilespmem:s16+$0xFFFFFFF0]  }
0x28: {  	s14 =	smul.u32 $0x4080, s30;
	s12 =	sshrl.u32 s12, $0x2  }
0x29: {  	s13 =	sor.u32 $0x2000, s12  }
0x2a: {  	s31 =	sshrl.u32 s14, $0x2;
	s14 =	sadd.s32 $0x0, s13  }
0x2b: {  	s15 =	simm.s32 $0x4;
	s16 =	sadd.s32 $0x20, s16;
	s12 =	sor.u32 $0x2000, s31;
	[tilespmem:s14+$0x810 ss:$0x81] =	vst.msk $0xffff, v1  }
.LBB1_3:
0x2c: {  	v1 =	vld [tilespmem:s16+$0x0];
	p1 =	sne.s32 s15, $0x1FC;
	[tilespmem:s14+$0x0 ss:$0x81] =	vst.msk $0xffff, v0;
	s14 =	smov.u32 s15;
	s15 =	sadd.s32 $0x4, s15  }
.Ltmp3:
0x2d: {  	v0 =	vld [tilespmem:s16+$0xFFFFFFF0];
	(pc) =	sbr.rel @p1 .LBB1_3-.Ltmp3, $4  }
0x2e: {  	_ = 	snop  }
0x2f: {  	s14 =	sshra.s32 s14, $0x2  }
0x30: {  	s14 =	sadd.s32 s14, s13  }
0x31: {  	s16 =	sadd.s32 $0x20, s16;
	[tilespmem:s14+$0x810 ss:$0x81] =	vst.msk $0xffff, v1  }
.Ltmp4:
0x32: {  	_ = 	snop;
	(pc) =	sbr.rel .LBB1_4-.Ltmp4, $1  }
0x33: {  	_ =	sdelay $0x3  }
.LBB1_6:
0x34: {  	_ =	sfence.sel $0x180000  }
0x35: {  	s2 =	simm.s32 $0x1;
	[bflag:$0x0] =	sbarrier.arrive $0xFFFF  }
0x36: {  	s31 =	simm.s32 $0x2;
	[sflag:s2] =	ssyncpa.u1 $0x1  }
0x37: {  	[sflag:s31] =	ssyncpa.u1 $0x1  }
0x38: {  	p0 =	sne.s32 s0, $0x0;
	_ =	strace $0x90000050  }
0x39: {  	s0 =	sadd.s32 @!p0 $0x100000, s1;
	[bflag:$0x2] =	sbarrier.arrive $0xFFFF  }
0x3a: {  	[sflag:s0] =	ssyncadd.tile.s32 @!p0 $0x1;
	_ =	shalt  }
.Lfunc_end1:
_tile_overlayer_lowered:
.L_overlay_start_2:
0x3b: {  	(tag) =	ssettag $0x2  }
0x3c: {  	s0 =	rddreg [dreg:$0x0];
	s2 =	stileid.u32  }
0x3d: {  	s1 =	rddreg [dreg:$0x1];
	p0 =	sne.s32 s2, $0x0  }
0x3e: {  	s3 =	rddreg [dreg:$0x2];
	[bflag:$0x3] =	sbarrier.arrive $0xFFFF;
	s2 =	simm.s32 @!p0 $0x1C01  }
0x3f: {  	[timem:s3], [sflag:s2] =	dma.local @!p0 [hbm:s0], s1  }
0x40: {  	s0 =	simm.s32 @!p0 $0x1  }
0x41: {  	_ =	swait.ge @!p0 [sflag:s0], s1  }
0x42: {  	s1 =	ssub.s32 @!p0 $0x0, s1;
	[sflag:s0] =	ssyncset.done @!p0 $0x0  }
0x43: {  	[sflag:s0] =	ssyncadd.s32 @!p0 s1  }
0x44: {  	[bflag:$0x3] =	sbarrier.arrive $0xFFFF  }
0x45: {  	_ =	shalt  }

</sc_bundles>
